<compile_context>
chip_gen: v7x
topology: tpu7x:2x2x1
jax: 0.10.2.dev20260603
libtpu: 0.0.44.dev20260713+nightly
codegen_flags: <defaults>
</compile_context>

<pallas_src>
import jax
import jax.numpy as jnp
from jax import lax
from jax.experimental import pallas as pl
from jax.experimental.pallas import tpu as pltpu
from jax.experimental.pallas import tpu_sc as plsc

_B4, _S, _D = 4096, 26, 64
_NC, _NS = 2, 16
_NW = _NC * _NS
_RPW = _B4 // _NW
_NBUF = 4
_NR = _RPW // _NBUF


def _gather_body(x_hbm, table_hbm, out_hbm, idx_v, rows_v,
                 gs0, gs1, gs2, gs3, ss0, ss1, ss2, ss3):
    gsems = (gs0, gs1, gs2, gs3)
    ssems = (ss0, ss1, ss2, ss3)
    wid = lax.axis_index("s") * _NC + lax.axis_index("c")
    row0 = wid * _RPW
    pltpu.sync_copy(x_hbm.at[pl.ds(row0, _RPW)], idx_v)

    def g_copy(j, b):
        return pltpu.make_async_copy(
            table_hbm.at[idx_v.at[j]], rows_v.at[b], gsems[b])

    def s_copy(j, b):
        return pltpu.make_async_copy(
            rows_v.at[b], out_hbm.at[row0 + j], ssems[b])

    for b in range(_NBUF):
        g_copy(b, b).start()

    def round_body(r, carry):
        for b in range(_NBUF):
            g_copy((r - 1) * _NBUF + b, b).wait()
            s_copy((r - 1) * _NBUF + b, b).start()
        for b in range(_NBUF):
            s_copy((r - 1) * _NBUF + b, b).wait()
            g_copy(r * _NBUF + b, b).start()
        return carry

    lax.fori_loop(1, _NR, round_body, 0, unroll=False)

    for b in range(_NBUF):
        g_copy((_NR - 1) * _NBUF + b, b).wait()
        s_copy((_NR - 1) * _NBUF + b, b).start()
    for b in range(_NBUF):
        s_copy((_NR - 1) * _NBUF + b, b).wait()


@jax.jit
def _gather(x2, table2):
    mesh = plsc.VectorSubcoreMesh(core_axis_name="c", subcore_axis_name="s")
    f = pl.kernel(
        _gather_body,
        out_type=jax.ShapeDtypeStruct((_B4, _S, _D), jnp.float32),
        mesh=mesh,
        scratch_types=[
            pltpu.VMEM((_RPW, _S), jnp.int32),
            pltpu.VMEM((_NBUF, _S, _D), jnp.float32),
        ] + [pltpu.SemaphoreType.DMA] * (2 * _NBUF),
        compiler_params=pltpu.CompilerParams(use_tc_tiling_on_sc=False),
    )
    return f(x2, table2)


def kernel(x, weight):
    wp = jnp.pad(weight, ((0, 0), (0, _D))).reshape(2 * weight.shape[0], _D)
    x2 = x.astype(jnp.int32) * 2
    return _gather(x2, wp)

# --- scband reference (transcript-rebuilt; emitter-appended) ---
"""Pipeline reference for scband-custom-embedding-19636590477935 (READ-ONLY COPY).

The authoritative reference and input builder live on the scoring server;
editing this copy changes nothing except your own understanding.
"""

import jax, jax.numpy as jnp
import numpy as np

NUM_EMBEDDINGS = 1000000
EMBEDDING_DIM = 64

def setup_inputs(seed: int = 0) -> dict:
    key = jax.random.key(seed)
    k_idx, k_w = jax.random.split(key)
    x = jax.random.randint(k_idx, (4096, 26), 0, NUM_EMBEDDINGS, dtype=jnp.int64 if jax.config.jax_enable_x64 else jnp.int32)
    weight = jax.random.uniform(k_w, (NUM_EMBEDDINGS, EMBEDDING_DIM), dtype=jnp.float32) * 2.0 - 1.0
    return {"x": x, "weight": weight}

def reference(x, weight):
    # Faithful translation of: self.weight[x.long()]
    return jnp.take(weight, x.astype(jnp.int32), axis=0)

if __name__ == "__main__":
    import jax
    _d = setup_inputs()
    print(jax.jit(kernel)(*tuple(_d.values())))

</pallas_src>

<mosaic_0001>
#map = affine_map<(d0, d1) -> (0, 0)>
#map1 = affine_map<(d0, d1) -> (0, 0, 0)>
module attributes {stable_mosaic.version = 14 : i64} {
  func.func @_gather_body(%arg0: i32, %arg1: i32, %arg2: memref<4096x26xi32, #tpu.memory_space<hbm>>, %arg3: memref<2000000x64xf32, #tpu.memory_space<hbm>>, %arg4: memref<4096x26x64xf32, #tpu.memory_space<hbm>>, %arg5: memref<128x26xi32, #tpu.memory_space<vmem>>, %arg6: memref<4x26x64xf32, #tpu.memory_space<vmem>>, %arg7: memref<!tpu.dma_semaphore, #tpu.memory_space<semaphore_mem>>, %arg8: memref<!tpu.dma_semaphore, #tpu.memory_space<semaphore_mem>>, %arg9: memref<!tpu.dma_semaphore, #tpu.memory_space<semaphore_mem>>, %arg10: memref<!tpu.dma_semaphore, #tpu.memory_space<semaphore_mem>>, %arg11: memref<!tpu.dma_semaphore, #tpu.memory_space<semaphore_mem>>, %arg12: memref<!tpu.dma_semaphore, #tpu.memory_space<semaphore_mem>>, %arg13: memref<!tpu.dma_semaphore, #tpu.memory_space<semaphore_mem>>, %arg14: memref<!tpu.dma_semaphore, #tpu.memory_space<semaphore_mem>>) attributes {dimension_semantics = [#tpu.dimension_semantics<core_parallel>, #tpu.dimension_semantics<subcore_parallel>], iteration_bounds = array<i64: 2, 16>, scalar_prefetch = 0 : i64, scratch_operands = 10 : i64, tpu.core_type = #tpu.core_type<sc_vector_subcore>, window_params = [{transform_indices = #map}, {transform_indices = #map}, {transform_indices = #map1}]} {
    %mul3A = arith.constant 2 : i32
    %mul3A_0 = arith.muli %arg1, %mul3A : i32
    %add3A = arith.addi %mul3A_0, %arg0 : i32
    %mul3A_1 = arith.constant 128 : i32
    %mul3A_2 = arith.muli %add3A, %mul3A_1 : i32
    "tpu.region"() ({
      %run_scoped3A = tpu.sem_alloc : memref<!tpu.dma_semaphore, #tpu.memory_space<semaphore_mem>>
      %dma_start3A_254 = arith.constant 0 : i32
      %dma_start3A_255 = tpu.memref_slice %arg2[%mul3A_2, %dma_start3A_254] : memref<4096x26xi32, #tpu.memory_space<hbm>> -> memref<128x26xi32, #tpu.memory_space<hbm>>
      %dma_start3A_256 = arith.constant 0 : i32
      %dma_start3A_257 = tpu.memref_slice %arg2[%mul3A_2, %dma_start3A_256] : memref<4096x26xi32, #tpu.memory_space<hbm>> -> memref<128x26xi32, #tpu.memory_space<hbm>>
      tpu.enqueue_dma source(%dma_start3A_257 : memref<128x26xi32, #tpu.memory_space<hbm>>) target(%arg5 : memref<128x26xi32, #tpu.memory_space<vmem>>) target_semaphore(%run_scoped3A : memref<!tpu.dma_semaphore, #tpu.memory_space<semaphore_mem>>)
      %dma_wait3A_258 = arith.constant 0 : i32
      %dma_wait3A_259 = tpu.memref_slice %arg2[%mul3A_2, %dma_wait3A_258] : memref<4096x26xi32, #tpu.memory_space<hbm>> -> memref<128x26xi32, #tpu.memory_space<hbm>>
      %dma_wait3A_260 = arith.constant 0 : i32
      %dma_wait3A_261 = tpu.memref_slice %arg2[%mul3A_2, %dma_wait3A_260] : memref<4096x26xi32, #tpu.memory_space<hbm>> -> memref<128x26xi32, #tpu.memory_space<hbm>>
      tpu.wait_dma2 semaphore(%run_scoped3A : memref<!tpu.dma_semaphore, #tpu.memory_space<semaphore_mem>>) src(%dma_wait3A_261 : memref<128x26xi32, #tpu.memory_space<hbm>>) dst(%arg5 : memref<128x26xi32, #tpu.memory_space<vmem>>)
      tpu.yield
    }) : () -> ()
    %dma_start3A = arith.constant 0 : i32
    %dma_start3A_3 = arith.constant 0 : i32
    %dma_start3A_4 = arith.constant 0 : i32
    %dma_start3A_5 = arith.constant 0 : i32
    %dma_start3A_6 = tpu.memref_slice %arg6[%dma_start3A_3, %dma_start3A_4, %dma_start3A_5] : memref<4x26x64xf32, #tpu.memory_space<vmem>> -> memref<1x26x64xf32, #tpu.memory_space<vmem>>
    %dma_start3A_7 = tpu.memref_squeeze %dma_start3A_6 : memref<1x26x64xf32, #tpu.memory_space<vmem>> -> memref<26x64xf32, #tpu.memory_space<vmem>>
    %dma_start3A_8 = arith.constant 0 : i32
    %dma_start3A_9 = tpu.memref_slice %arg5[%dma_start3A, %dma_start3A_8] : memref<128x26xi32, #tpu.memory_space<vmem>> -> memref<1x26xi32, #tpu.memory_space<vmem>>
    %dma_start3A_10 = tpu.memref_squeeze %dma_start3A_9 : memref<1x26xi32, #tpu.memory_space<vmem>> -> memref<26xi32, #tpu.memory_space<vmem>>
    %dma_start3A_11 = arith.constant 0 : i32
    %dma_start3A_12 = arith.constant 0 : i32
    %dma_start3A_13 = tpu.memref_slice %arg3[%dma_start3A_11, %dma_start3A_12] : memref<2000000x64xf32, #tpu.memory_space<hbm>> -> memref<2000000x64xf32, #tpu.memory_space<hbm>>
    tpu.enqueue_indirect_dma source(%dma_start3A_13 : memref<2000000x64xf32, #tpu.memory_space<hbm>>) target(%dma_start3A_7 : memref<26x64xf32, #tpu.memory_space<vmem>>) offsets(%dma_start3A_10 : memref<26xi32, #tpu.memory_space<vmem>>) semaphore(%arg7 : memref<!tpu.dma_semaphore, #tpu.memory_space<semaphore_mem>>)
    %dma_start3A_14 = arith.constant 1 : i32
    %dma_start3A_15 = arith.constant 1 : i32
    %dma_start3A_16 = arith.constant 0 : i32
    %dma_start3A_17 = arith.constant 0 : i32
    %dma_start3A_18 = tpu.memref_slice %arg6[%dma_start3A_15, %dma_start3A_16, %dma_start3A_17] : memref<4x26x64xf32, #tpu.memory_space<vmem>> -> memref<1x26x64xf32, #tpu.memory_space<vmem>>
    %dma_start3A_19 = tpu.memref_squeeze %dma_start3A_18 : memref<1x26x64xf32, #tpu.memory_space<vmem>> -> memref<26x64xf32, #tpu.memory_space<vmem>>
    %dma_start3A_20 = arith.constant 0 : i32
    %dma_start3A_21 = tpu.memref_slice %arg5[%dma_start3A_14, %dma_start3A_20] : memref<128x26xi32, #tpu.memory_space<vmem>> -> memref<1x26xi32, #tpu.memory_space<vmem>>
    %dma_start3A_22 = tpu.memref_squeeze %dma_start3A_21 : memref<1x26xi32, #tpu.memory_space<vmem>> -> memref<26xi32, #tpu.memory_space<vmem>>
    %dma_start3A_23 = arith.constant 0 : i32
    %dma_start3A_24 = arith.constant 0 : i32
    %dma_start3A_25 = tpu.memref_slice %arg3[%dma_start3A_23, %dma_start3A_24] : memref<2000000x64xf32, #tpu.memory_space<hbm>> -> memref<2000000x64xf32, #tpu.memory_space<hbm>>
    tpu.enqueue_indirect_dma source(%dma_start3A_25 : memref<2000000x64xf32, #tpu.memory_space<hbm>>) target(%dma_start3A_19 : memref<26x64xf32, #tpu.memory_space<vmem>>) offsets(%dma_start3A_22 : memref<26xi32, #tpu.memory_space<vmem>>) semaphore(%arg8 : memref<!tpu.dma_semaphore, #tpu.memory_space<semaphore_mem>>)
    %dma_start3A_26 = arith.constant 2 : i32
    %dma_start3A_27 = arith.constant 2 : i32
    %dma_start3A_28 = arith.constant 0 : i32
    %dma_start3A_29 = arith.constant 0 : i32
    %dma_start3A_30 = tpu.memref_slice %arg6[%dma_start3A_27, %dma_start3A_28, %dma_start3A_29] : memref<4x26x64xf32, #tpu.memory_space<vmem>> -> memref<1x26x64xf32, #tpu.memory_space<vmem>>
    %dma_start3A_31 = tpu.memref_squeeze %dma_start3A_30 : memref<1x26x64xf32, #tpu.memory_space<vmem>> -> memref<26x64xf32, #tpu.memory_space<vmem>>
    %dma_start3A_32 = arith.constant 0 : i32
    %dma_start3A_33 = tpu.memref_slice %arg5[%dma_start3A_26, %dma_start3A_32] : memref<128x26xi32, #tpu.memory_space<vmem>> -> memref<1x26xi32, #tpu.memory_space<vmem>>
    %dma_start3A_34 = tpu.memref_squeeze %dma_start3A_33 : memref<1x26xi32, #tpu.memory_space<vmem>> -> memref<26xi32, #tpu.memory_space<vmem>>
    %dma_start3A_35 = arith.constant 0 : i32
    %dma_start3A_36 = arith.constant 0 : i32
    %dma_start3A_37 = tpu.memref_slice %arg3[%dma_start3A_35, %dma_start3A_36] : memref<2000000x64xf32, #tpu.memory_space<hbm>> -> memref<2000000x64xf32, #tpu.memory_space<hbm>>
    tpu.enqueue_indirect_dma source(%dma_start3A_37 : memref<2000000x64xf32, #tpu.memory_space<hbm>>) target(%dma_start3A_31 : memref<26x64xf32, #tpu.memory_space<vmem>>) offsets(%dma_start3A_34 : memref<26xi32, #tpu.memory_space<vmem>>) semaphore(%arg9 : memref<!tpu.dma_semaphore, #tpu.memory_space<semaphore_mem>>)
    %dma_start3A_38 = arith.constant 3 : i32
    %dma_start3A_39 = arith.constant 3 : i32
    %dma_start3A_40 = arith.constant 0 : i32
    %dma_start3A_41 = arith.constant 0 : i32
    %dma_start3A_42 = tpu.memref_slice %arg6[%dma_start3A_39, %dma_start3A_40, %dma_start3A_41] : memref<4x26x64xf32, #tpu.memory_space<vmem>> -> memref<1x26x64xf32, #tpu.memory_space<vmem>>
    %dma_start3A_43 = tpu.memref_squeeze %dma_start3A_42 : memref<1x26x64xf32, #tpu.memory_space<vmem>> -> memref<26x64xf32, #tpu.memory_space<vmem>>
    %dma_start3A_44 = arith.constant 0 : i32
    %dma_start3A_45 = tpu.memref_slice %arg5[%dma_start3A_38, %dma_start3A_44] : memref<128x26xi32, #tpu.memory_space<vmem>> -> memref<1x26xi32, #tpu.memory_space<vmem>>
    %dma_start3A_46 = tpu.memref_squeeze %dma_start3A_45 : memref<1x26xi32, #tpu.memory_space<vmem>> -> memref<26xi32, #tpu.memory_space<vmem>>
    %dma_start3A_47 = arith.constant 0 : i32
    %dma_start3A_48 = arith.constant 0 : i32
    %dma_start3A_49 = tpu.memref_slice %arg3[%dma_start3A_47, %dma_start3A_48] : memref<2000000x64xf32, #tpu.memory_space<hbm>> -> memref<2000000x64xf32, #tpu.memory_space<hbm>>
    tpu.enqueue_indirect_dma source(%dma_start3A_49 : memref<2000000x64xf32, #tpu.memory_space<hbm>>) target(%dma_start3A_43 : memref<26x64xf32, #tpu.memory_space<vmem>>) offsets(%dma_start3A_46 : memref<26xi32, #tpu.memory_space<vmem>>) semaphore(%arg10 : memref<!tpu.dma_semaphore, #tpu.memory_space<semaphore_mem>>)
    %scan3A = arith.constant 0 : i32
    %scan3A_50 = arith.constant 1 : i32
    %scan3A_51 = arith.constant 31 : i32
    %scan3A_52 = arith.addi %scan3A_50, %scan3A_51 : i32
    %scan3A_53 = arith.constant 1 : i32
    scf.for %scan3A_254 = %scan3A_50 to %scan3A_52 step %scan3A_53  : i32 {
      %sub3A = arith.constant 1 : i32
      %sub3A_255 = arith.subi %scan3A_254, %sub3A : i32
      %mul3A_256 = arith.constant 4 : i32
      %mul3A_257 = arith.muli %sub3A_255, %mul3A_256 : i32
      %add3A_258 = arith.constant 0 : i32
      %add3A_259 = arith.addi %mul3A_257, %add3A_258 : i32
      %dma_wait3A_260 = arith.constant 0 : i32
      %dma_wait3A_261 = arith.constant 0 : i32
      %dma_wait3A_262 = arith.constant 0 : i32
      %dma_wait3A_263 = tpu.memref_slice %arg6[%dma_wait3A_260, %dma_wait3A_261, %dma_wait3A_262] : memref<4x26x64xf32, #tpu.memory_space<vmem>> -> memref<1x26x64xf32, #tpu.memory_space<vmem>>
      %dma_wait3A_264 = tpu.memref_squeeze %dma_wait3A_263 : memref<1x26x64xf32, #tpu.memory_space<vmem>> -> memref<26x64xf32, #tpu.memory_space<vmem>>
      %dma_wait3A_265 = arith.constant 0 : i32
      %dma_wait3A_266 = tpu.memref_slice %arg5[%add3A_259, %dma_wait3A_265] : memref<128x26xi32, #tpu.memory_space<vmem>> -> memref<1x26xi32, #tpu.memory_space<vmem>>
      %dma_wait3A_267 = tpu.memref_squeeze %dma_wait3A_266 : memref<1x26xi32, #tpu.memory_space<vmem>> -> memref<26xi32, #tpu.memory_space<vmem>>
      %dma_wait3A_268 = arith.constant 0 : i32
      %dma_wait3A_269 = arith.constant 0 : i32
      %dma_wait3A_270 = tpu.memref_slice %arg3[%dma_wait3A_268, %dma_wait3A_269] : memref<2000000x64xf32, #tpu.memory_space<hbm>> -> memref<2000000x64xf32, #tpu.memory_space<hbm>>
      tpu.wait_indirect_dma semaphore(%arg7 : memref<!tpu.dma_semaphore, #tpu.memory_space<semaphore_mem>>) src(%dma_wait3A_270 : memref<2000000x64xf32, #tpu.memory_space<hbm>>) dst(%dma_wait3A_264 : memref<26x64xf32, #tpu.memory_space<vmem>>)
      %sub3A_271 = arith.constant 1 : i32
      %sub3A_272 = arith.subi %scan3A_254, %sub3A_271 : i32
      %mul3A_273 = arith.constant 4 : i32
      %mul3A_274 = arith.muli %sub3A_272, %mul3A_273 : i32
      %add3A_275 = arith.constant 0 : i32
      %add3A_276 = arith.addi %mul3A_274, %add3A_275 : i32
      %add3A_277 = arith.addi %mul3A_2, %add3A_276 : i32
      %dma_start3A_278 = arith.constant 0 : i32
      %dma_start3A_279 = arith.constant 0 : i32
      %dma_start3A_280 = arith.constant 0 : i32
      %dma_start3A_281 = tpu.memref_slice %arg6[%dma_start3A_278, %dma_start3A_279, %dma_start3A_280] : memref<4x26x64xf32, #tpu.memory_space<vmem>> -> memref<1x26x64xf32, #tpu.memory_space<vmem>>
      %dma_start3A_282 = tpu.memref_squeeze %dma_start3A_281 : memref<1x26x64xf32, #tpu.memory_space<vmem>> -> memref<26x64xf32, #tpu.memory_space<vmem>>
      %dma_start3A_283 = arith.constant 0 : i32
      %dma_start3A_284 = arith.constant 0 : i32
      %dma_start3A_285 = tpu.memref_slice %arg4[%add3A_277, %dma_start3A_283, %dma_start3A_284] : memref<4096x26x64xf32, #tpu.memory_space<hbm>> -> memref<1x26x64xf32, #tpu.memory_space<hbm>>
      %dma_start3A_286 = tpu.memref_squeeze %dma_start3A_285 : memref<1x26x64xf32, #tpu.memory_space<hbm>> -> memref<26x64xf32, #tpu.memory_space<hbm>>
      %dma_start3A_287 = arith.constant 0 : i32
      %dma_start3A_288 = arith.constant 0 : i32
      %dma_start3A_289 = tpu.memref_slice %arg4[%add3A_277, %dma_start3A_287, %dma_start3A_288] : memref<4096x26x64xf32, #tpu.memory_space<hbm>> -> memref<1x26x64xf32, #tpu.memory_space<hbm>>
      %dma_start3A_290 = tpu.memref_squeeze %dma_start3A_289 : memref<1x26x64xf32, #tpu.memory_space<hbm>> -> memref<26x64xf32, #tpu.memory_space<hbm>>
      %dma_start3A_291 = arith.constant 0 : i32
      %dma_start3A_292 = arith.constant 0 : i32
      %dma_start3A_293 = tpu.memref_slice %arg6[%dma_start3A_278, %dma_start3A_291, %dma_start3A_292] : memref<4x26x64xf32, #tpu.memory_space<vmem>> -> memref<1x26x64xf32, #tpu.memory_space<vmem>>
      %dma_start3A_294 = tpu.memref_squeeze %dma_start3A_293 : memref<1x26x64xf32, #tpu.memory_space<vmem>> -> memref<26x64xf32, #tpu.memory_space<vmem>>
      tpu.enqueue_dma source(%dma_start3A_294 : memref<26x64xf32, #tpu.memory_space<vmem>>) target(%dma_start3A_290 : memref<26x64xf32, #tpu.memory_space<hbm>>) target_semaphore(%arg11 : memref<!tpu.dma_semaphore, #tpu.memory_space<semaphore_mem>>)
      %sub3A_295 = arith.constant 1 : i32
      %sub3A_296 = arith.subi %scan3A_254, %sub3A_295 : i32
      %mul3A_297 = arith.constant 4 : i32
      %mul3A_298 = arith.muli %sub3A_296, %mul3A_297 : i32
      %add3A_299 = arith.constant 1 : i32
      %add3A_300 = arith.addi %mul3A_298, %add3A_299 : i32
      %dma_wait3A_301 = arith.constant 1 : i32
      %dma_wait3A_302 = arith.constant 0 : i32
      %dma_wait3A_303 = arith.constant 0 : i32
      %dma_wait3A_304 = tpu.memref_slice %arg6[%dma_wait3A_301, %dma_wait3A_302, %dma_wait3A_303] : memref<4x26x64xf32, #tpu.memory_space<vmem>> -> memref<1x26x64xf32, #tpu.memory_space<vmem>>
      %dma_wait3A_305 = tpu.memref_squeeze %dma_wait3A_304 : memref<1x26x64xf32, #tpu.memory_space<vmem>> -> memref<26x64xf32, #tpu.memory_space<vmem>>
      %dma_wait3A_306 = arith.constant 0 : i32
      %dma_wait3A_307 = tpu.memref_slice %arg5[%add3A_300, %dma_wait3A_306] : memref<128x26xi32, #tpu.memory_space<vmem>> -> memref<1x26xi32, #tpu.memory_space<vmem>>
      %dma_wait3A_308 = tpu.memref_squeeze %dma_wait3A_307 : memref<1x26xi32, #tpu.memory_space<vmem>> -> memref<26xi32, #tpu.memory_space<vmem>>
      %dma_wait3A_309 = arith.constant 0 : i32
      %dma_wait3A_310 = arith.constant 0 : i32
      %dma_wait3A_311 = tpu.memref_slice %arg3[%dma_wait3A_309, %dma_wait3A_310] : memref<2000000x64xf32, #tpu.memory_space<hbm>> -> memref<2000000x64xf32, #tpu.memory_space<hbm>>
      tpu.wait_indirect_dma semaphore(%arg8 : memref<!tpu.dma_semaphore, #tpu.memory_space<semaphore_mem>>) src(%dma_wait3A_311 : memref<2000000x64xf32, #tpu.memory_space<hbm>>) dst(%dma_wait3A_305 : memref<26x64xf32, #tpu.memory_space<vmem>>)
      %sub3A_312 = arith.constant 1 : i32
      %sub3A_313 = arith.subi %scan3A_254, %sub3A_312 : i32
      %mul3A_314 = arith.constant 4 : i32
      %mul3A_315 = arith.muli %sub3A_313, %mul3A_314 : i32
      %add3A_316 = arith.constant 1 : i32
      %add3A_317 = arith.addi %mul3A_315, %add3A_316 : i32
      %add3A_318 = arith.addi %mul3A_2, %add3A_317 : i32
      %dma_start3A_319 = arith.constant 1 : i32
      %dma_start3A_320 = arith.constant 0 : i32
      %dma_start3A_321 = arith.constant 0 : i32
      %dma_start3A_322 = tpu.memref_slice %arg6[%dma_start3A_319, %dma_start3A_320, %dma_start3A_321] : memref<4x26x64xf32, #tpu.memory_space<vmem>> -> memref<1x26x64xf32, #tpu.memory_space<vmem>>
      %dma_start3A_323 = tpu.memref_squeeze %dma_start3A_322 : memref<1x26x64xf32, #tpu.memory_space<vmem>> -> memref<26x64xf32, #tpu.memory_space<vmem>>
      %dma_start3A_324 = arith.constant 0 : i32
      %dma_start3A_325 = arith.constant 0 : i32
      %dma_start3A_326 = tpu.memref_slice %arg4[%add3A_318, %dma_start3A_324, %dma_start3A_325] : memref<4096x26x64xf32, #tpu.memory_space<hbm>> -> memref<1x26x64xf32, #tpu.memory_space<hbm>>
      %dma_start3A_327 = tpu.memref_squeeze %dma_start3A_326 : memref<1x26x64xf32, #tpu.memory_space<hbm>> -> memref<26x64xf32, #tpu.memory_space<hbm>>
      %dma_start3A_328 = arith.constant 0 : i32
      %dma_start3A_329 = arith.constant 0 : i32
      %dma_start3A_330 = tpu.memref_slice %arg4[%add3A_318, %dma_start3A_328, %dma_start3A_329] : memref<4096x26x64xf32, #tpu.memory_space<hbm>> -> memref<1x26x64xf32, #tpu.memory_space<hbm>>
      %dma_start3A_331 = tpu.memref_squeeze %dma_start3A_330 : memref<1x26x64xf32, #tpu.memory_space<hbm>> -> memref<26x64xf32, #tpu.memory_space<hbm>>
      %dma_start3A_332 = arith.constant 0 : i32
      %dma_start3A_333 = arith.constant 0 : i32
      %dma_start3A_334 = tpu.memref_slice %arg6[%dma_start3A_319, %dma_start3A_332, %dma_start3A_333] : memref<4x26x64xf32, #tpu.memory_space<vmem>> -> memref<1x26x64xf32, #tpu.memory_space<vmem>>
      %dma_start3A_335 = tpu.memref_squeeze %dma_start3A_334 : memref<1x26x64xf32, #tpu.memory_space<vmem>> -> memref<26x64xf32, #tpu.memory_space<vmem>>
      tpu.enqueue_dma source(%dma_start3A_335 : memref<26x64xf32, #tpu.memory_space<vmem>>) target(%dma_start3A_331 : memref<26x64xf32, #tpu.memory_space<hbm>>) target_semaphore(%arg12 : memref<!tpu.dma_semaphore, #tpu.memory_space<semaphore_mem>>)
      %sub3A_336 = arith.constant 1 : i32
      %sub3A_337 = arith.subi %scan3A_254, %sub3A_336 : i32
      %mul3A_338 = arith.constant 4 : i32
      %mul3A_339 = arith.muli %sub3A_337, %mul3A_338 : i32
      %add3A_340 = arith.constant 2 : i32
      %add3A_341 = arith.addi %mul3A_339, %add3A_340 : i32
      %dma_wait3A_342 = arith.constant 2 : i32
      %dma_wait3A_343 = arith.constant 0 : i32
      %dma_wait3A_344 = arith.constant 0 : i32
      %dma_wait3A_345 = tpu.memref_slice %arg6[%dma_wait3A_342, %dma_wait3A_343, %dma_wait3A_344] : memref<4x26x64xf32, #tpu.memory_space<vmem>> -> memref<1x26x64xf32, #tpu.memory_space<vmem>>
      %dma_wait3A_346 = tpu.memref_squeeze %dma_wait3A_345 : memref<1x26x64xf32, #tpu.memory_space<vmem>> -> memref<26x64xf32, #tpu.memory_space<vmem>>
      %dma_wait3A_347 = arith.constant 0 : i32
      %dma_wait3A_348 = tpu.memref_slice %arg5[%add3A_341, %dma_wait3A_347] : memref<128x26xi32, #tpu.memory_space<vmem>> -> memref<1x26xi32, #tpu.memory_space<vmem>>
      %dma_wait3A_349 = tpu.memref_squeeze %dma_wait3A_348 : memref<1x26xi32, #tpu.memory_space<vmem>> -> memref<26xi32, #tpu.memory_space<vmem>>
      %dma_wait3A_350 = arith.constant 0 : i32
      %dma_wait3A_351 = arith.constant 0 : i32
      %dma_wait3A_352 = tpu.memref_slice %arg3[%dma_wait3A_350, %dma_wait3A_351] : memref<2000000x64xf32, #tpu.memory_space<hbm>> -> memref<2000000x64xf32, #tpu.memory_space<hbm>>
      tpu.wait_indirect_dma semaphore(%arg9 : memref<!tpu.dma_semaphore, #tpu.memory_space<semaphore_mem>>) src(%dma_wait3A_352 : memref<2000000x64xf32, #tpu.memory_space<hbm>>) dst(%dma_wait3A_346 : memref<26x64xf32, #tpu.memory_space<vmem>>)
      %sub3A_353 = arith.constant 1 : i32
      %sub3A_354 = arith.subi %scan3A_254, %sub3A_353 : i32
      %mul3A_355 = arith.constant 4 : i32
      %mul3A_356 = arith.muli %sub3A_354, %mul3A_355 : i32
      %add3A_357 = arith.constant 2 : i32
      %add3A_358 = arith.addi %mul3A_356, %add3A_357 : i32
      %add3A_359 = arith.addi %mul3A_2, %add3A_358 : i32
      %dma_start3A_360 = arith.constant 2 : i32
      %dma_start3A_361 = arith.constant 0 : i32
      %dma_start3A_362 = arith.constant 0 : i32
      %dma_start3A_363 = tpu.memref_slice %arg6[%dma_start3A_360, %dma_start3A_361, %dma_start3A_362] : memref<4x26x64xf32, #tpu.memory_space<vmem>> -> memref<1x26x64xf32, #tpu.memory_space<vmem>>
      %dma_start3A_364 = tpu.memref_squeeze %dma_start3A_363 : memref<1x26x64xf32, #tpu.memory_space<vmem>> -> memref<26x64xf32, #tpu.memory_space<vmem>>
      %dma_start3A_365 = arith.constant 0 : i32
      %dma_start3A_366 = arith.constant 0 : i32
      %dma_start3A_367 = tpu.memref_slice %arg4[%add3A_359, %dma_start3A_365, %dma_start3A_366] : memref<4096x26x64xf32, #tpu.memory_space<hbm>> -> memref<1x26x64xf32, #tpu.memory_space<hbm>>
      %dma_start3A_368 = tpu.memref_squeeze %dma_start3A_367 : memref<1x26x64xf32, #tpu.memory_space<hbm>> -> memref<26x64xf32, #tpu.memory_space<hbm>>
      %dma_start3A_369 = arith.constant 0 : i32
      %dma_start3A_370 = arith.constant 0 : i32
      %dma_start3A_371 = tpu.memref_slice %arg4[%add3A_359, %dma_start3A_369, %dma_start3A_370] : memref<4096x26x64xf32, #tpu.memory_space<hbm>> -> memref<1x26x64xf32, #tpu.memory_space<hbm>>
      %dma_start3A_372 = tpu.memref_squeeze %dma_start3A_371 : memref<1x26x64xf32, #tpu.memory_space<hbm>> -> memref<26x64xf32, #tpu.memory_space<hbm>>
      %dma_start3A_373 = arith.constant 0 : i32
      %dma_start3A_374 = arith.constant 0 : i32
      %dma_start3A_375 = tpu.memref_slice %arg6[%dma_start3A_360, %dma_start3A_373, %dma_start3A_374] : memref<4x26x64xf32, #tpu.memory_space<vmem>> -> memref<1x26x64xf32, #tpu.memory_space<vmem>>
      %dma_start3A_376 = tpu.memref_squeeze %dma_start3A_375 : memref<1x26x64xf32, #tpu.memory_space<vmem>> -> memref<26x64xf32, #tpu.memory_space<vmem>>
      tpu.enqueue_dma source(%dma_start3A_376 : memref<26x64xf32, #tpu.memory_space<vmem>>) target(%dma_start3A_372 : memref<26x64xf32, #tpu.memory_space<hbm>>) target_semaphore(%arg13 : memref<!tpu.dma_semaphore, #tpu.memory_space<semaphore_mem>>)
      %sub3A_377 = arith.constant 1 : i32
      %sub3A_378 = arith.subi %scan3A_254, %sub3A_377 : i32
      %mul3A_379 = arith.constant 4 : i32
      %mul3A_380 = arith.muli %sub3A_378, %mul3A_379 : i32
      %add3A_381 = arith.constant 3 : i32
      %add3A_382 = arith.addi %mul3A_380, %add3A_381 : i32
      %dma_wait3A_383 = arith.constant 3 : i32
      %dma_wait3A_384 = arith.constant 0 : i32
      %dma_wait3A_385 = arith.constant 0 : i32
      %dma_wait3A_386 = tpu.memref_slice %arg6[%dma_wait3A_383, %dma_wait3A_384, %dma_wait3A_385] : memref<4x26x64xf32, #tpu.memory_space<vmem>> -> memref<1x26x64xf32, #tpu.memory_space<vmem>>
      %dma_wait3A_387 = tpu.memref_squeeze %dma_wait3A_386 : memref<1x26x64xf32, #tpu.memory_space<vmem>> -> memref<26x64xf32, #tpu.memory_space<vmem>>
      %dma_wait3A_388 = arith.constant 0 : i32
      %dma_wait3A_389 = tpu.memref_slice %arg5[%add3A_382, %dma_wait3A_388] : memref<128x26xi32, #tpu.memory_space<vmem>> -> memref<1x26xi32, #tpu.memory_space<vmem>>
      %dma_wait3A_390 = tpu.memref_squeeze %dma_wait3A_389 : memref<1x26xi32, #tpu.memory_space<vmem>> -> memref<26xi32, #tpu.memory_space<vmem>>
      %dma_wait3A_391 = arith.constant 0 : i32
      %dma_wait3A_392 = arith.constant 0 : i32
      %dma_wait3A_393 = tpu.memref_slice %arg3[%dma_wait3A_391, %dma_wait3A_392] : memref<2000000x64xf32, #tpu.memory_space<hbm>> -> memref<2000000x64xf32, #tpu.memory_space<hbm>>
      tpu.wait_indirect_dma semaphore(%arg10 : memref<!tpu.dma_semaphore, #tpu.memory_space<semaphore_mem>>) src(%dma_wait3A_393 : memref<2000000x64xf32, #tpu.memory_space<hbm>>) dst(%dma_wait3A_387 : memref<26x64xf32, #tpu.memory_space<vmem>>)
      %sub3A_394 = arith.constant 1 : i32
      %sub3A_395 = arith.subi %scan3A_254, %sub3A_394 : i32
      %mul3A_396 = arith.constant 4 : i32
      %mul3A_397 = arith.muli %sub3A_395, %mul3A_396 : i32
      %add3A_398 = arith.constant 3 : i32
      %add3A_399 = arith.addi %mul3A_397, %add3A_398 : i32
      %add3A_400 = arith.addi %mul3A_2, %add3A_399 : i32
      %dma_start3A_401 = arith.constant 3 : i32
      %dma_start3A_402 = arith.constant 0 : i32
      %dma_start3A_403 = arith.constant 0 : i32
      %dma_start3A_404 = tpu.memref_slice %arg6[%dma_start3A_401, %dma_start3A_402, %dma_start3A_403] : memref<4x26x64xf32, #tpu.memory_space<vmem>> -> memref<1x26x64xf32, #tpu.memory_space<vmem>>
      %dma_start3A_405 = tpu.memref_squeeze %dma_start3A_404 : memref<1x26x64xf32, #tpu.memory_space<vmem>> -> memref<26x64xf32, #tpu.memory_space<vmem>>
      %dma_start3A_406 = arith.constant 0 : i32
      %dma_start3A_407 = arith.constant 0 : i32
      %dma_start3A_408 = tpu.memref_slice %arg4[%add3A_400, %dma_start3A_406, %dma_start3A_407] : memref<4096x26x64xf32, #tpu.memory_space<hbm>> -> memref<1x26x64xf32, #tpu.memory_space<hbm>>
      %dma_start3A_409 = tpu.memref_squeeze %dma_start3A_408 : memref<1x26x64xf32, #tpu.memory_space<hbm>> -> memref<26x64xf32, #tpu.memory_space<hbm>>
      %dma_start3A_410 = arith.constant 0 : i32
      %dma_start3A_411 = arith.constant 0 : i32
      %dma_start3A_412 = tpu.memref_slice %arg4[%add3A_400, %dma_start3A_410, %dma_start3A_411] : memref<4096x26x64xf32, #tpu.memory_space<hbm>> -> memref<1x26x64xf32, #tpu.memory_space<hbm>>
      %dma_start3A_413 = tpu.memref_squeeze %dma_start3A_412 : memref<1x26x64xf32, #tpu.memory_space<hbm>> -> memref<26x64xf32, #tpu.memory_space<hbm>>
      %dma_start3A_414 = arith.constant 0 : i32
      %dma_start3A_415 = arith.constant 0 : i32
      %dma_start3A_416 = tpu.memref_slice %arg6[%dma_start3A_401, %dma_start3A_414, %dma_start3A_415] : memref<4x26x64xf32, #tpu.memory_space<vmem>> -> memref<1x26x64xf32, #tpu.memory_space<vmem>>
      %dma_start3A_417 = tpu.memref_squeeze %dma_start3A_416 : memref<1x26x64xf32, #tpu.memory_space<vmem>> -> memref<26x64xf32, #tpu.memory_space<vmem>>
      tpu.enqueue_dma source(%dma_start3A_417 : memref<26x64xf32, #tpu.memory_space<vmem>>) target(%dma_start3A_413 : memref<26x64xf32, #tpu.memory_space<hbm>>) target_semaphore(%arg14 : memref<!tpu.dma_semaphore, #tpu.memory_space<semaphore_mem>>)
      %sub3A_418 = arith.constant 1 : i32
      %sub3A_419 = arith.subi %scan3A_254, %sub3A_418 : i32
      %mul3A_420 = arith.constant 4 : i32
      %mul3A_421 = arith.muli %sub3A_419, %mul3A_420 : i32
      %add3A_422 = arith.constant 0 : i32
      %add3A_423 = arith.addi %mul3A_421, %add3A_422 : i32
      %add3A_424 = arith.addi %mul3A_2, %add3A_423 : i32
      %dma_wait3A_425 = arith.constant 0 : i32
      %dma_wait3A_426 = arith.constant 0 : i32
      %dma_wait3A_427 = arith.constant 0 : i32
      %dma_wait3A_428 = tpu.memref_slice %arg6[%dma_wait3A_425, %dma_wait3A_426, %dma_wait3A_427] : memref<4x26x64xf32, #tpu.memory_space<vmem>> -> memref<1x26x64xf32, #tpu.memory_space<vmem>>
      %dma_wait3A_429 = tpu.memref_squeeze %dma_wait3A_428 : memref<1x26x64xf32, #tpu.memory_space<vmem>> -> memref<26x64xf32, #tpu.memory_space<vmem>>
      %dma_wait3A_430 = arith.constant 0 : i32
      %dma_wait3A_431 = arith.constant 0 : i32
      %dma_wait3A_432 = tpu.memref_slice %arg4[%add3A_424, %dma_wait3A_430, %dma_wait3A_431] : memref<4096x26x64xf32, #tpu.memory_space<hbm>> -> memref<1x26x64xf32, #tpu.memory_space<hbm>>
      %dma_wait3A_433 = tpu.memref_squeeze %dma_wait3A_432 : memref<1x26x64xf32, #tpu.memory_space<hbm>> -> memref<26x64xf32, #tpu.memory_space<hbm>>
      %dma_wait3A_434 = arith.constant 0 : i32
      %dma_wait3A_435 = arith.constant 0 : i32
      %dma_wait3A_436 = tpu.memref_slice %arg4[%add3A_424, %dma_wait3A_434, %dma_wait3A_435] : memref<4096x26x64xf32, #tpu.memory_space<hbm>> -> memref<1x26x64xf32, #tpu.memory_space<hbm>>
      %dma_wait3A_437 = tpu.memref_squeeze %dma_wait3A_436 : memref<1x26x64xf32, #tpu.memory_space<hbm>> -> memref<26x64xf32, #tpu.memory_space<hbm>>
      %dma_wait3A_438 = arith.constant 0 : i32
      %dma_wait3A_439 = arith.constant 0 : i32
      %dma_wait3A_440 = tpu.memref_slice %arg6[%dma_wait3A_425, %dma_wait3A_438, %dma_wait3A_439] : memref<4x26x64xf32, #tpu.memory_space<vmem>> -> memref<1x26x64xf32, #tpu.memory_space<vmem>>
      %dma_wait3A_441 = tpu.memref_squeeze %dma_wait3A_440 : memref<1x26x64xf32, #tpu.memory_space<vmem>> -> memref<26x64xf32, #tpu.memory_space<vmem>>
      tpu.wait_dma2 semaphore(%arg11 : memref<!tpu.dma_semaphore, #tpu.memory_space<semaphore_mem>>) src(%dma_wait3A_441 : memref<26x64xf32, #tpu.memory_space<vmem>>) dst(%dma_wait3A_437 : memref<26x64xf32, #tpu.memory_space<hbm>>)
      %mul3A_442 = arith.constant 4 : i32
      %mul3A_443 = arith.muli %scan3A_254, %mul3A_442 : i32
      %add3A_444 = arith.constant 0 : i32
      %add3A_445 = arith.addi %mul3A_443, %add3A_444 : i32
      %dma_start3A_446 = arith.constant 0 : i32
      %dma_start3A_447 = arith.constant 0 : i32
      %dma_start3A_448 = arith.constant 0 : i32
      %dma_start3A_449 = tpu.memref_slice %arg6[%dma_start3A_446, %dma_start3A_447, %dma_start3A_448] : memref<4x26x64xf32, #tpu.memory_space<vmem>> -> memref<1x26x64xf32, #tpu.memory_space<vmem>>
      %dma_start3A_450 = tpu.memref_squeeze %dma_start3A_449 : memref<1x26x64xf32, #tpu.memory_space<vmem>> -> memref<26x64xf32, #tpu.memory_space<vmem>>
      %dma_start3A_451 = arith.constant 0 : i32
      %dma_start3A_452 = tpu.memref_slice %arg5[%add3A_445, %dma_start3A_451] : memref<128x26xi32, #tpu.memory_space<vmem>> -> memref<1x26xi32, #tpu.memory_space<vmem>>
      %dma_start3A_453 = tpu.memref_squeeze %dma_start3A_452 : memref<1x26xi32, #tpu.memory_space<vmem>> -> memref<26xi32, #tpu.memory_space<vmem>>
      %dma_start3A_454 = arith.constant 0 : i32
      %dma_start3A_455 = arith.constant 0 : i32
      %dma_start3A_456 = tpu.memref_slice %arg3[%dma_start3A_454, %dma_start3A_455] : memref<2000000x64xf32, #tpu.memory_space<hbm>> -> memref<2000000x64xf32, #tpu.memory_space<hbm>>
      tpu.enqueue_indirect_dma source(%dma_start3A_456 : memref<2000000x64xf32, #tpu.memory_space<hbm>>) target(%dma_start3A_450 : memref<26x64xf32, #tpu.memory_space<vmem>>) offsets(%dma_start3A_453 : memref<26xi32, #tpu.memory_space<vmem>>) semaphore(%arg7 : memref<!tpu.dma_semaphore, #tpu.memory_space<semaphore_mem>>)
      %sub3A_457 = arith.constant 1 : i32
      %sub3A_458 = arith.subi %scan3A_254, %sub3A_457 : i32
      %mul3A_459 = arith.constant 4 : i32
      %mul3A_460 = arith.muli %sub3A_458, %mul3A_459 : i32
      %add3A_461 = arith.constant 1 : i32
      %add3A_462 = arith.addi %mul3A_460, %add3A_461 : i32
      %add3A_463 = arith.addi %mul3A_2, %add3A_462 : i32
      %dma_wait3A_464 = arith.constant 1 : i32
      %dma_wait3A_465 = arith.constant 0 : i32
      %dma_wait3A_466 = arith.constant 0 : i32
      %dma_wait3A_467 = tpu.memref_slice %arg6[%dma_wait3A_464, %dma_wait3A_465, %dma_wait3A_466] : memref<4x26x64xf32, #tpu.memory_space<vmem>> -> memref<1x26x64xf32, #tpu.memory_space<vmem>>
      %dma_wait3A_468 = tpu.memref_squeeze %dma_wait3A_467 : memref<1x26x64xf32, #tpu.memory_space<vmem>> -> memref<26x64xf32, #tpu.memory_space<vmem>>
      %dma_wait3A_469 = arith.constant 0 : i32
      %dma_wait3A_470 = arith.constant 0 : i32
      %dma_wait3A_471 = tpu.memref_slice %arg4[%add3A_463, %dma_wait3A_469, %dma_wait3A_470] : memref<4096x26x64xf32, #tpu.memory_space<hbm>> -> memref<1x26x64xf32, #tpu.memory_space<hbm>>
      %dma_wait3A_472 = tpu.memref_squeeze %dma_wait3A_471 : memref<1x26x64xf32, #tpu.memory_space<hbm>> -> memref<26x64xf32, #tpu.memory_space<hbm>>
      %dma_wait3A_473 = arith.constant 0 : i32
      %dma_wait3A_474 = arith.constant 0 : i32
      %dma_wait3A_475 = tpu.memref_slice %arg4[%add3A_463, %dma_wait3A_473, %dma_wait3A_474] : memref<4096x26x64xf32, #tpu.memory_space<hbm>> -> memref<1x26x64xf32, #tpu.memory_space<hbm>>
      %dma_wait3A_476 = tpu.memref_squeeze %dma_wait3A_475 : memref<1x26x64xf32, #tpu.memory_space<hbm>> -> memref<26x64xf32, #tpu.memory_space<hbm>>
      %dma_wait3A_477 = arith.constant 0 : i32
      %dma_wait3A_478 = arith.constant 0 : i32
      %dma_wait3A_479 = tpu.memref_slice %arg6[%dma_wait3A_464, %dma_wait3A_477, %dma_wait3A_478] : memref<4x26x64xf32, #tpu.memory_space<vmem>> -> memref<1x26x64xf32, #tpu.memory_space<vmem>>
      %dma_wait3A_480 = tpu.memref_squeeze %dma_wait3A_479 : memref<1x26x64xf32, #tpu.memory_space<vmem>> -> memref<26x64xf32, #tpu.memory_space<vmem>>
      tpu.wait_dma2 semaphore(%arg12 : memref<!tpu.dma_semaphore, #tpu.memory_space<semaphore_mem>>) src(%dma_wait3A_480 : memref<26x64xf32, #tpu.memory_space<vmem>>) dst(%dma_wait3A_476 : memref<26x64xf32, #tpu.memory_space<hbm>>)
      %mul3A_481 = arith.constant 4 : i32
      %mul3A_482 = arith.muli %scan3A_254, %mul3A_481 : i32
      %add3A_483 = arith.constant 1 : i32
      %add3A_484 = arith.addi %mul3A_482, %add3A_483 : i32
      %dma_start3A_485 = arith.constant 1 : i32
      %dma_start3A_486 = arith.constant 0 : i32
      %dma_start3A_487 = arith.constant 0 : i32
      %dma_start3A_488 = tpu.memref_slice %arg6[%dma_start3A_485, %dma_start3A_486, %dma_start3A_487] : memref<4x26x64xf32, #tpu.memory_space<vmem>> -> memref<1x26x64xf32, #tpu.memory_space<vmem>>
      %dma_start3A_489 = tpu.memref_squeeze %dma_start3A_488 : memref<1x26x64xf32, #tpu.memory_space<vmem>> -> memref<26x64xf32, #tpu.memory_space<vmem>>
      %dma_start3A_490 = arith.constant 0 : i32
      %dma_start3A_491 = tpu.memref_slice %arg5[%add3A_484, %dma_start3A_490] : memref<128x26xi32, #tpu.memory_space<vmem>> -> memref<1x26xi32, #tpu.memory_space<vmem>>
      %dma_start3A_492 = tpu.memref_squeeze %dma_start3A_491 : memref<1x26xi32, #tpu.memory_space<vmem>> -> memref<26xi32, #tpu.memory_space<vmem>>
      %dma_start3A_493 = arith.constant 0 : i32
      %dma_start3A_494 = arith.constant 0 : i32
      %dma_start3A_495 = tpu.memref_slice %arg3[%dma_start3A_493, %dma_start3A_494] : memref<2000000x64xf32, #tpu.memory_space<hbm>> -> memref<2000000x64xf32, #tpu.memory_space<hbm>>
      tpu.enqueue_indirect_dma source(%dma_start3A_495 : memref<2000000x64xf32, #tpu.memory_space<hbm>>) target(%dma_start3A_489 : memref<26x64xf32, #tpu.memory_space<vmem>>) offsets(%dma_start3A_492 : memref<26xi32, #tpu.memory_space<vmem>>) semaphore(%arg8 : memref<!tpu.dma_semaphore, #tpu.memory_space<semaphore_mem>>)
      %sub3A_496 = arith.constant 1 : i32
      %sub3A_497 = arith.subi %scan3A_254, %sub3A_496 : i32
      %mul3A_498 = arith.constant 4 : i32
      %mul3A_499 = arith.muli %sub3A_497, %mul3A_498 : i32
      %add3A_500 = arith.constant 2 : i32
      %add3A_501 = arith.addi %mul3A_499, %add3A_500 : i32
      %add3A_502 = arith.addi %mul3A_2, %add3A_501 : i32
      %dma_wait3A_503 = arith.constant 2 : i32
      %dma_wait3A_504 = arith.constant 0 : i32
      %dma_wait3A_505 = arith.constant 0 : i32
      %dma_wait3A_506 = tpu.memref_slice %arg6[%dma_wait3A_503, %dma_wait3A_504, %dma_wait3A_505] : memref<4x26x64xf32, #tpu.memory_space<vmem>> -> memref<1x26x64xf32, #tpu.memory_space<vmem>>
      %dma_wait3A_507 = tpu.memref_squeeze %dma_wait3A_506 : memref<1x26x64xf32, #tpu.memory_space<vmem>> -> memref<26x64xf32, #tpu.memory_space<vmem>>
      %dma_wait3A_508 = arith.constant 0 : i32
      %dma_wait3A_509 = arith.constant 0 : i32
      %dma_wait3A_510 = tpu.memref_slice %arg4[%add3A_502, %dma_wait3A_508, %dma_wait3A_509] : memref<4096x26x64xf32, #tpu.memory_space<hbm>> -> memref<1x26x64xf32, #tpu.memory_space<hbm>>
      %dma_wait3A_511 = tpu.memref_squeeze %dma_wait3A_510 : memref<1x26x64xf32, #tpu.memory_space<hbm>> -> memref<26x64xf32, #tpu.memory_space<hbm>>
      %dma_wait3A_512 = arith.constant 0 : i32
      %dma_wait3A_513 = arith.constant 0 : i32
      %dma_wait3A_514 = tpu.memref_slice %arg4[%add3A_502, %dma_wait3A_512, %dma_wait3A_513] : memref<4096x26x64xf32, #tpu.memory_space<hbm>> -> memref<1x26x64xf32, #tpu.memory_space<hbm>>
      %dma_wait3A_515 = tpu.memref_squeeze %dma_wait3A_514 : memref<1x26x64xf32, #tpu.memory_space<hbm>> -> memref<26x64xf32, #tpu.memory_space<hbm>>
      %dma_wait3A_516 = arith.constant 0 : i32
      %dma_wait3A_517 = arith.constant 0 : i32
      %dma_wait3A_518 = tpu.memref_slice %arg6[%dma_wait3A_503, %dma_wait3A_516, %dma_wait3A_517] : memref<4x26x64xf32, #tpu.memory_space<vmem>> -> memref<1x26x64xf32, #tpu.memory_space<vmem>>
      %dma_wait3A_519 = tpu.memref_squeeze %dma_wait3A_518 : memref<1x26x64xf32, #tpu.memory_space<vmem>> -> memref<26x64xf32, #tpu.memory_space<vmem>>
      tpu.wait_dma2 semaphore(%arg13 : memref<!tpu.dma_semaphore, #tpu.memory_space<semaphore_mem>>) src(%dma_wait3A_519 : memref<26x64xf32, #tpu.memory_space<vmem>>) dst(%dma_wait3A_515 : memref<26x64xf32, #tpu.memory_space<hbm>>)
      %mul3A_520 = arith.constant 4 : i32
      %mul3A_521 = arith.muli %scan3A_254, %mul3A_520 : i32
      %add3A_522 = arith.constant 2 : i32
      %add3A_523 = arith.addi %mul3A_521, %add3A_522 : i32
      %dma_start3A_524 = arith.constant 2 : i32
      %dma_start3A_525 = arith.constant 0 : i32
      %dma_start3A_526 = arith.constant 0 : i32
      %dma_start3A_527 = tpu.memref_slice %arg6[%dma_start3A_524, %dma_start3A_525, %dma_start3A_526] : memref<4x26x64xf32, #tpu.memory_space<vmem>> -> memref<1x26x64xf32, #tpu.memory_space<vmem>>
      %dma_start3A_528 = tpu.memref_squeeze %dma_start3A_527 : memref<1x26x64xf32, #tpu.memory_space<vmem>> -> memref<26x64xf32, #tpu.memory_space<vmem>>
      %dma_start3A_529 = arith.constant 0 : i32
      %dma_start3A_530 = tpu.memref_slice %arg5[%add3A_523, %dma_start3A_529] : memref<128x26xi32, #tpu.memory_space<vmem>> -> memref<1x26xi32, #tpu.memory_space<vmem>>
      %dma_start3A_531 = tpu.memref_squeeze %dma_start3A_530 : memref<1x26xi32, #tpu.memory_space<vmem>> -> memref<26xi32, #tpu.memory_space<vmem>>
      %dma_start3A_532 = arith.constant 0 : i32
      %dma_start3A_533 = arith.constant 0 : i32
      %dma_start3A_534 = tpu.memref_slice %arg3[%dma_start3A_532, %dma_start3A_533] : memref<2000000x64xf32, #tpu.memory_space<hbm>> -> memref<2000000x64xf32, #tpu.memory_space<hbm>>
      tpu.enqueue_indirect_dma source(%dma_start3A_534 : memref<2000000x64xf32, #tpu.memory_space<hbm>>) target(%dma_start3A_528 : memref<26x64xf32, #tpu.memory_space<vmem>>) offsets(%dma_start3A_531 : memref<26xi32, #tpu.memory_space<vmem>>) semaphore(%arg9 : memref<!tpu.dma_semaphore, #tpu.memory_space<semaphore_mem>>)
      %sub3A_535 = arith.constant 1 : i32
      %sub3A_536 = arith.subi %scan3A_254, %sub3A_535 : i32
      %mul3A_537 = arith.constant 4 : i32
      %mul3A_538 = arith.muli %sub3A_536, %mul3A_537 : i32
      %add3A_539 = arith.constant 3 : i32
      %add3A_540 = arith.addi %mul3A_538, %add3A_539 : i32
      %add3A_541 = arith.addi %mul3A_2, %add3A_540 : i32
      %dma_wait3A_542 = arith.constant 3 : i32
      %dma_wait3A_543 = arith.constant 0 : i32
      %dma_wait3A_544 = arith.constant 0 : i32
      %dma_wait3A_545 = tpu.memref_slice %arg6[%dma_wait3A_542, %dma_wait3A_543, %dma_wait3A_544] : memref<4x26x64xf32, #tpu.memory_space<vmem>> -> memref<1x26x64xf32, #tpu.memory_space<vmem>>
      %dma_wait3A_546 = tpu.memref_squeeze %dma_wait3A_545 : memref<1x26x64xf32, #tpu.memory_space<vmem>> -> memref<26x64xf32, #tpu.memory_space<vmem>>
      %dma_wait3A_547 = arith.constant 0 : i32
      %dma_wait3A_548 = arith.constant 0 : i32
      %dma_wait3A_549 = tpu.memref_slice %arg4[%add3A_541, %dma_wait3A_547, %dma_wait3A_548] : memref<4096x26x64xf32, #tpu.memory_space<hbm>> -> memref<1x26x64xf32, #tpu.memory_space<hbm>>
      %dma_wait3A_550 = tpu.memref_squeeze %dma_wait3A_549 : memref<1x26x64xf32, #tpu.memory_space<hbm>> -> memref<26x64xf32, #tpu.memory_space<hbm>>
      %dma_wait3A_551 = arith.constant 0 : i32
      %dma_wait3A_552 = arith.constant 0 : i32
      %dma_wait3A_553 = tpu.memref_slice %arg4[%add3A_541, %dma_wait3A_551, %dma_wait3A_552] : memref<4096x26x64xf32, #tpu.memory_space<hbm>> -> memref<1x26x64xf32, #tpu.memory_space<hbm>>
      %dma_wait3A_554 = tpu.memref_squeeze %dma_wait3A_553 : memref<1x26x64xf32, #tpu.memory_space<hbm>> -> memref<26x64xf32, #tpu.memory_space<hbm>>
      %dma_wait3A_555 = arith.constant 0 : i32
      %dma_wait3A_556 = arith.constant 0 : i32
      %dma_wait3A_557 = tpu.memref_slice %arg6[%dma_wait3A_542, %dma_wait3A_555, %dma_wait3A_556] : memref<4x26x64xf32, #tpu.memory_space<vmem>> -> memref<1x26x64xf32, #tpu.memory_space<vmem>>
      %dma_wait3A_558 = tpu.memref_squeeze %dma_wait3A_557 : memref<1x26x64xf32, #tpu.memory_space<vmem>> -> memref<26x64xf32, #tpu.memory_space<vmem>>
      tpu.wait_dma2 semaphore(%arg14 : memref<!tpu.dma_semaphore, #tpu.memory_space<semaphore_mem>>) src(%dma_wait3A_558 : memref<26x64xf32, #tpu.memory_space<vmem>>) dst(%dma_wait3A_554 : memref<26x64xf32, #tpu.memory_space<hbm>>)
      %mul3A_559 = arith.constant 4 : i32
      %mul3A_560 = arith.muli %scan3A_254, %mul3A_559 : i32
      %add3A_561 = arith.constant 3 : i32
      %add3A_562 = arith.addi %mul3A_560, %add3A_561 : i32
      %dma_start3A_563 = arith.constant 3 : i32
      %dma_start3A_564 = arith.constant 0 : i32
      %dma_start3A_565 = arith.constant 0 : i32
      %dma_start3A_566 = tpu.memref_slice %arg6[%dma_start3A_563, %dma_start3A_564, %dma_start3A_565] : memref<4x26x64xf32, #tpu.memory_space<vmem>> -> memref<1x26x64xf32, #tpu.memory_space<vmem>>
      %dma_start3A_567 = tpu.memref_squeeze %dma_start3A_566 : memref<1x26x64xf32, #tpu.memory_space<vmem>> -> memref<26x64xf32, #tpu.memory_space<vmem>>
      %dma_start3A_568 = arith.constant 0 : i32
      %dma_start3A_569 = tpu.memref_slice %arg5[%add3A_562, %dma_start3A_568] : memref<128x26xi32, #tpu.memory_space<vmem>> -> memref<1x26xi32, #tpu.memory_space<vmem>>
      %dma_start3A_570 = tpu.memref_squeeze %dma_start3A_569 : memref<1x26xi32, #tpu.memory_space<vmem>> -> memref<26xi32, #tpu.memory_space<vmem>>
      %dma_start3A_571 = arith.constant 0 : i32
      %dma_start3A_572 = arith.constant 0 : i32
      %dma_start3A_573 = tpu.memref_slice %arg3[%dma_start3A_571, %dma_start3A_572] : memref<2000000x64xf32, #tpu.memory_space<hbm>> -> memref<2000000x64xf32, #tpu.memory_space<hbm>>
      tpu.enqueue_indirect_dma source(%dma_start3A_573 : memref<2000000x64xf32, #tpu.memory_space<hbm>>) target(%dma_start3A_567 : memref<26x64xf32, #tpu.memory_space<vmem>>) offsets(%dma_start3A_570 : memref<26xi32, #tpu.memory_space<vmem>>) semaphore(%arg10 : memref<!tpu.dma_semaphore, #tpu.memory_space<semaphore_mem>>)
    }
    %scan3A_54 = arith.constant 31 : i32
    %dma_wait3A = arith.constant 124 : i32
    %dma_wait3A_55 = arith.constant 0 : i32
    %dma_wait3A_56 = arith.constant 0 : i32
    %dma_wait3A_57 = arith.constant 0 : i32
    %dma_wait3A_58 = tpu.memref_slice %arg6[%dma_wait3A_55, %dma_wait3A_56, %dma_wait3A_57] : memref<4x26x64xf32, #tpu.memory_space<vmem>> -> memref<1x26x64xf32, #tpu.memory_space<vmem>>
    %dma_wait3A_59 = tpu.memref_squeeze %dma_wait3A_58 : memref<1x26x64xf32, #tpu.memory_space<vmem>> -> memref<26x64xf32, #tpu.memory_space<vmem>>
    %dma_wait3A_60 = arith.constant 0 : i32
    %dma_wait3A_61 = tpu.memref_slice %arg5[%dma_wait3A, %dma_wait3A_60] : memref<128x26xi32, #tpu.memory_space<vmem>> -> memref<1x26xi32, #tpu.memory_space<vmem>>
    %dma_wait3A_62 = tpu.memref_squeeze %dma_wait3A_61 : memref<1x26xi32, #tpu.memory_space<vmem>> -> memref<26xi32, #tpu.memory_space<vmem>>
    %dma_wait3A_63 = arith.constant 0 : i32
    %dma_wait3A_64 = arith.constant 0 : i32
    %dma_wait3A_65 = tpu.memref_slice %arg3[%dma_wait3A_63, %dma_wait3A_64] : memref<2000000x64xf32, #tpu.memory_space<hbm>> -> memref<2000000x64xf32, #tpu.memory_space<hbm>>
    tpu.wait_indirect_dma semaphore(%arg7 : memref<!tpu.dma_semaphore, #tpu.memory_space<semaphore_mem>>) src(%dma_wait3A_65 : memref<2000000x64xf32, #tpu.memory_space<hbm>>) dst(%dma_wait3A_59 : memref<26x64xf32, #tpu.memory_space<vmem>>)
    %add3A_66 = arith.constant 124 : i32
    %add3A_67 = arith.addi %mul3A_2, %add3A_66 : i32
    %dma_start3A_68 = arith.constant 0 : i32
    %dma_start3A_69 = arith.constant 0 : i32
    %dma_start3A_70 = arith.constant 0 : i32
    %dma_start3A_71 = tpu.memref_slice %arg6[%dma_start3A_68, %dma_start3A_69, %dma_start3A_70] : memref<4x26x64xf32, #tpu.memory_space<vmem>> -> memref<1x26x64xf32, #tpu.memory_space<vmem>>
    %dma_start3A_72 = tpu.memref_squeeze %dma_start3A_71 : memref<1x26x64xf32, #tpu.memory_space<vmem>> -> memref<26x64xf32, #tpu.memory_space<vmem>>
    %dma_start3A_73 = arith.constant 0 : i32
    %dma_start3A_74 = arith.constant 0 : i32
    %dma_start3A_75 = tpu.memref_slice %arg4[%add3A_67, %dma_start3A_73, %dma_start3A_74] : memref<4096x26x64xf32, #tpu.memory_space<hbm>> -> memref<1x26x64xf32, #tpu.memory_space<hbm>>
    %dma_start3A_76 = tpu.memref_squeeze %dma_start3A_75 : memref<1x26x64xf32, #tpu.memory_space<hbm>> -> memref<26x64xf32, #tpu.memory_space<hbm>>
    %dma_start3A_77 = arith.constant 0 : i32
    %dma_start3A_78 = arith.constant 0 : i32
    %dma_start3A_79 = tpu.memref_slice %arg4[%add3A_67, %dma_start3A_77, %dma_start3A_78] : memref<4096x26x64xf32, #tpu.memory_space<hbm>> -> memref<1x26x64xf32, #tpu.memory_space<hbm>>
    %dma_start3A_80 = tpu.memref_squeeze %dma_start3A_79 : memref<1x26x64xf32, #tpu.memory_space<hbm>> -> memref<26x64xf32, #tpu.memory_space<hbm>>
    %dma_start3A_81 = arith.constant 0 : i32
    %dma_start3A_82 = arith.constant 0 : i32
    %dma_start3A_83 = tpu.memref_slice %arg6[%dma_start3A_68, %dma_start3A_81, %dma_start3A_82] : memref<4x26x64xf32, #tpu.memory_space<vmem>> -> memref<1x26x64xf32, #tpu.memory_space<vmem>>
    %dma_start3A_84 = tpu.memref_squeeze %dma_start3A_83 : memref<1x26x64xf32, #tpu.memory_space<vmem>> -> memref<26x64xf32, #tpu.memory_space<vmem>>
    tpu.enqueue_dma source(%dma_start3A_84 : memref<26x64xf32, #tpu.memory_space<vmem>>) target(%dma_start3A_80 : memref<26x64xf32, #tpu.memory_space<hbm>>) target_semaphore(%arg11 : memref<!tpu.dma_semaphore, #tpu.memory_space<semaphore_mem>>)
    %dma_wait3A_85 = arith.constant 125 : i32
    %dma_wait3A_86 = arith.constant 1 : i32
    %dma_wait3A_87 = arith.constant 0 : i32
    %dma_wait3A_88 = arith.constant 0 : i32
    %dma_wait3A_89 = tpu.memref_slice %arg6[%dma_wait3A_86, %dma_wait3A_87, %dma_wait3A_88] : memref<4x26x64xf32, #tpu.memory_space<vmem>> -> memref<1x26x64xf32, #tpu.memory_space<vmem>>
    %dma_wait3A_90 = tpu.memref_squeeze %dma_wait3A_89 : memref<1x26x64xf32, #tpu.memory_space<vmem>> -> memref<26x64xf32, #tpu.memory_space<vmem>>
    %dma_wait3A_91 = arith.constant 0 : i32
    %dma_wait3A_92 = tpu.memref_slice %arg5[%dma_wait3A_85, %dma_wait3A_91] : memref<128x26xi32, #tpu.memory_space<vmem>> -> memref<1x26xi32, #tpu.memory_space<vmem>>
    %dma_wait3A_93 = tpu.memref_squeeze %dma_wait3A_92 : memref<1x26xi32, #tpu.memory_space<vmem>> -> memref<26xi32, #tpu.memory_space<vmem>>
    %dma_wait3A_94 = arith.constant 0 : i32
    %dma_wait3A_95 = arith.constant 0 : i32
    %dma_wait3A_96 = tpu.memref_slice %arg3[%dma_wait3A_94, %dma_wait3A_95] : memref<2000000x64xf32, #tpu.memory_space<hbm>> -> memref<2000000x64xf32, #tpu.memory_space<hbm>>
    tpu.wait_indirect_dma semaphore(%arg8 : memref<!tpu.dma_semaphore, #tpu.memory_space<semaphore_mem>>) src(%dma_wait3A_96 : memref<2000000x64xf32, #tpu.memory_space<hbm>>) dst(%dma_wait3A_90 : memref<26x64xf32, #tpu.memory_space<vmem>>)
    %add3A_97 = arith.constant 125 : i32
    %add3A_98 = arith.addi %mul3A_2, %add3A_97 : i32
    %dma_start3A_99 = arith.constant 1 : i32
    %dma_start3A_100 = arith.constant 0 : i32
    %dma_start3A_101 = arith.constant 0 : i32
    %dma_start3A_102 = tpu.memref_slice %arg6[%dma_start3A_99, %dma_start3A_100, %dma_start3A_101] : memref<4x26x64xf32, #tpu.memory_space<vmem>> -> memref<1x26x64xf32, #tpu.memory_space<vmem>>
    %dma_start3A_103 = tpu.memref_squeeze %dma_start3A_102 : memref<1x26x64xf32, #tpu.memory_space<vmem>> -> memref<26x64xf32, #tpu.memory_space<vmem>>
    %dma_start3A_104 = arith.constant 0 : i32
    %dma_start3A_105 = arith.constant 0 : i32
    %dma_start3A_106 = tpu.memref_slice %arg4[%add3A_98, %dma_start3A_104, %dma_start3A_105] : memref<4096x26x64xf32, #tpu.memory_space<hbm>> -> memref<1x26x64xf32, #tpu.memory_space<hbm>>
    %dma_start3A_107 = tpu.memref_squeeze %dma_start3A_106 : memref<1x26x64xf32, #tpu.memory_space<hbm>> -> memref<26x64xf32, #tpu.memory_space<hbm>>
    %dma_start3A_108 = arith.constant 0 : i32
    %dma_start3A_109 = arith.constant 0 : i32
    %dma_start3A_110 = tpu.memref_slice %arg4[%add3A_98, %dma_start3A_108, %dma_start3A_109] : memref<4096x26x64xf32, #tpu.memory_space<hbm>> -> memref<1x26x64xf32, #tpu.memory_space<hbm>>
    %dma_start3A_111 = tpu.memref_squeeze %dma_start3A_110 : memref<1x26x64xf32, #tpu.memory_space<hbm>> -> memref<26x64xf32, #tpu.memory_space<hbm>>
    %dma_start3A_112 = arith.constant 0 : i32
    %dma_start3A_113 = arith.constant 0 : i32
    %dma_start3A_114 = tpu.memref_slice %arg6[%dma_start3A_99, %dma_start3A_112, %dma_start3A_113] : memref<4x26x64xf32, #tpu.memory_space<vmem>> -> memref<1x26x64xf32, #tpu.memory_space<vmem>>
    %dma_start3A_115 = tpu.memref_squeeze %dma_start3A_114 : memref<1x26x64xf32, #tpu.memory_space<vmem>> -> memref<26x64xf32, #tpu.memory_space<vmem>>
    tpu.enqueue_dma source(%dma_start3A_115 : memref<26x64xf32, #tpu.memory_space<vmem>>) target(%dma_start3A_111 : memref<26x64xf32, #tpu.memory_space<hbm>>) target_semaphore(%arg12 : memref<!tpu.dma_semaphore, #tpu.memory_space<semaphore_mem>>)
    %dma_wait3A_116 = arith.constant 126 : i32
    %dma_wait3A_117 = arith.constant 2 : i32
    %dma_wait3A_118 = arith.constant 0 : i32
    %dma_wait3A_119 = arith.constant 0 : i32
    %dma_wait3A_120 = tpu.memref_slice %arg6[%dma_wait3A_117, %dma_wait3A_118, %dma_wait3A_119] : memref<4x26x64xf32, #tpu.memory_space<vmem>> -> memref<1x26x64xf32, #tpu.memory_space<vmem>>
    %dma_wait3A_121 = tpu.memref_squeeze %dma_wait3A_120 : memref<1x26x64xf32, #tpu.memory_space<vmem>> -> memref<26x64xf32, #tpu.memory_space<vmem>>
    %dma_wait3A_122 = arith.constant 0 : i32
    %dma_wait3A_123 = tpu.memref_slice %arg5[%dma_wait3A_116, %dma_wait3A_122] : memref<128x26xi32, #tpu.memory_space<vmem>> -> memref<1x26xi32, #tpu.memory_space<vmem>>
    %dma_wait3A_124 = tpu.memref_squeeze %dma_wait3A_123 : memref<1x26xi32, #tpu.memory_space<vmem>> -> memref<26xi32, #tpu.memory_space<vmem>>
    %dma_wait3A_125 = arith.constant 0 : i32
    %dma_wait3A_126 = arith.constant 0 : i32
    %dma_wait3A_127 = tpu.memref_slice %arg3[%dma_wait3A_125, %dma_wait3A_126] : memref<2000000x64xf32, #tpu.memory_space<hbm>> -> memref<2000000x64xf32, #tpu.memory_space<hbm>>
    tpu.wait_indirect_dma semaphore(%arg9 : memref<!tpu.dma_semaphore, #tpu.memory_space<semaphore_mem>>) src(%dma_wait3A_127 : memref<2000000x64xf32, #tpu.memory_space<hbm>>) dst(%dma_wait3A_121 : memref<26x64xf32, #tpu.memory_space<vmem>>)
    %add3A_128 = arith.constant 126 : i32
    %add3A_129 = arith.addi %mul3A_2, %add3A_128 : i32
    %dma_start3A_130 = arith.constant 2 : i32
    %dma_start3A_131 = arith.constant 0 : i32
    %dma_start3A_132 = arith.constant 0 : i32
    %dma_start3A_133 = tpu.memref_slice %arg6[%dma_start3A_130, %dma_start3A_131, %dma_start3A_132] : memref<4x26x64xf32, #tpu.memory_space<vmem>> -> memref<1x26x64xf32, #tpu.memory_space<vmem>>
    %dma_start3A_134 = tpu.memref_squeeze %dma_start3A_133 : memref<1x26x64xf32, #tpu.memory_space<vmem>> -> memref<26x64xf32, #tpu.memory_space<vmem>>
    %dma_start3A_135 = arith.constant 0 : i32
    %dma_start3A_136 = arith.constant 0 : i32
    %dma_start3A_137 = tpu.memref_slice %arg4[%add3A_129, %dma_start3A_135, %dma_start3A_136] : memref<4096x26x64xf32, #tpu.memory_space<hbm>> -> memref<1x26x64xf32, #tpu.memory_space<hbm>>
    %dma_start3A_138 = tpu.memref_squeeze %dma_start3A_137 : memref<1x26x64xf32, #tpu.memory_space<hbm>> -> memref<26x64xf32, #tpu.memory_space<hbm>>
    %dma_start3A_139 = arith.constant 0 : i32
    %dma_start3A_140 = arith.constant 0 : i32
    %dma_start3A_141 = tpu.memref_slice %arg4[%add3A_129, %dma_start3A_139, %dma_start3A_140] : memref<4096x26x64xf32, #tpu.memory_space<hbm>> -> memref<1x26x64xf32, #tpu.memory_space<hbm>>
    %dma_start3A_142 = tpu.memref_squeeze %dma_start3A_141 : memref<1x26x64xf32, #tpu.memory_space<hbm>> -> memref<26x64xf32, #tpu.memory_space<hbm>>
    %dma_start3A_143 = arith.constant 0 : i32
    %dma_start3A_144 = arith.constant 0 : i32
    %dma_start3A_145 = tpu.memref_slice %arg6[%dma_start3A_130, %dma_start3A_143, %dma_start3A_144] : memref<4x26x64xf32, #tpu.memory_space<vmem>> -> memref<1x26x64xf32, #tpu.memory_space<vmem>>
    %dma_start3A_146 = tpu.memref_squeeze %dma_start3A_145 : memref<1x26x64xf32, #tpu.memory_space<vmem>> -> memref<26x64xf32, #tpu.memory_space<vmem>>
    tpu.enqueue_dma source(%dma_start3A_146 : memref<26x64xf32, #tpu.memory_space<vmem>>) target(%dma_start3A_142 : memref<26x64xf32, #tpu.memory_space<hbm>>) target_semaphore(%arg13 : memref<!tpu.dma_semaphore, #tpu.memory_space<semaphore_mem>>)
    %dma_wait3A_147 = arith.constant 127 : i32
    %dma_wait3A_148 = arith.constant 3 : i32
    %dma_wait3A_149 = arith.constant 0 : i32
    %dma_wait3A_150 = arith.constant 0 : i32
    %dma_wait3A_151 = tpu.memref_slice %arg6[%dma_wait3A_148, %dma_wait3A_149, %dma_wait3A_150] : memref<4x26x64xf32, #tpu.memory_space<vmem>> -> memref<1x26x64xf32, #tpu.memory_space<vmem>>
    %dma_wait3A_152 = tpu.memref_squeeze %dma_wait3A_151 : memref<1x26x64xf32, #tpu.memory_space<vmem>> -> memref<26x64xf32, #tpu.memory_space<vmem>>
    %dma_wait3A_153 = arith.constant 0 : i32
    %dma_wait3A_154 = tpu.memref_slice %arg5[%dma_wait3A_147, %dma_wait3A_153] : memref<128x26xi32, #tpu.memory_space<vmem>> -> memref<1x26xi32, #tpu.memory_space<vmem>>
    %dma_wait3A_155 = tpu.memref_squeeze %dma_wait3A_154 : memref<1x26xi32, #tpu.memory_space<vmem>> -> memref<26xi32, #tpu.memory_space<vmem>>
    %dma_wait3A_156 = arith.constant 0 : i32
    %dma_wait3A_157 = arith.constant 0 : i32
    %dma_wait3A_158 = tpu.memref_slice %arg3[%dma_wait3A_156, %dma_wait3A_157] : memref<2000000x64xf32, #tpu.memory_space<hbm>> -> memref<2000000x64xf32, #tpu.memory_space<hbm>>
    tpu.wait_indirect_dma semaphore(%arg10 : memref<!tpu.dma_semaphore, #tpu.memory_space<semaphore_mem>>) src(%dma_wait3A_158 : memref<2000000x64xf32, #tpu.memory_space<hbm>>) dst(%dma_wait3A_152 : memref<26x64xf32, #tpu.memory_space<vmem>>)
    %add3A_159 = arith.constant 127 : i32
    %add3A_160 = arith.addi %mul3A_2, %add3A_159 : i32
    %dma_start3A_161 = arith.constant 3 : i32
    %dma_start3A_162 = arith.constant 0 : i32
    %dma_start3A_163 = arith.constant 0 : i32
    %dma_start3A_164 = tpu.memref_slice %arg6[%dma_start3A_161, %dma_start3A_162, %dma_start3A_163] : memref<4x26x64xf32, #tpu.memory_space<vmem>> -> memref<1x26x64xf32, #tpu.memory_space<vmem>>
    %dma_start3A_165 = tpu.memref_squeeze %dma_start3A_164 : memref<1x26x64xf32, #tpu.memory_space<vmem>> -> memref<26x64xf32, #tpu.memory_space<vmem>>
    %dma_start3A_166 = arith.constant 0 : i32
    %dma_start3A_167 = arith.constant 0 : i32
    %dma_start3A_168 = tpu.memref_slice %arg4[%add3A_160, %dma_start3A_166, %dma_start3A_167] : memref<4096x26x64xf32, #tpu.memory_space<hbm>> -> memref<1x26x64xf32, #tpu.memory_space<hbm>>
    %dma_start3A_169 = tpu.memref_squeeze %dma_start3A_168 : memref<1x26x64xf32, #tpu.memory_space<hbm>> -> memref<26x64xf32, #tpu.memory_space<hbm>>
    %dma_start3A_170 = arith.constant 0 : i32
    %dma_start3A_171 = arith.constant 0 : i32
    %dma_start3A_172 = tpu.memref_slice %arg4[%add3A_160, %dma_start3A_170, %dma_start3A_171] : memref<4096x26x64xf32, #tpu.memory_space<hbm>> -> memref<1x26x64xf32, #tpu.memory_space<hbm>>
    %dma_start3A_173 = tpu.memref_squeeze %dma_start3A_172 : memref<1x26x64xf32, #tpu.memory_space<hbm>> -> memref<26x64xf32, #tpu.memory_space<hbm>>
    %dma_start3A_174 = arith.constant 0 : i32
    %dma_start3A_175 = arith.constant 0 : i32
    %dma_start3A_176 = tpu.memref_slice %arg6[%dma_start3A_161, %dma_start3A_174, %dma_start3A_175] : memref<4x26x64xf32, #tpu.memory_space<vmem>> -> memref<1x26x64xf32, #tpu.memory_space<vmem>>
    %dma_start3A_177 = tpu.memref_squeeze %dma_start3A_176 : memref<1x26x64xf32, #tpu.memory_space<vmem>> -> memref<26x64xf32, #tpu.memory_space<vmem>>
    tpu.enqueue_dma source(%dma_start3A_177 : memref<26x64xf32, #tpu.memory_space<vmem>>) target(%dma_start3A_173 : memref<26x64xf32, #tpu.memory_space<hbm>>) target_semaphore(%arg14 : memref<!tpu.dma_semaphore, #tpu.memory_space<semaphore_mem>>)
    %add3A_178 = arith.constant 124 : i32
    %add3A_179 = arith.addi %mul3A_2, %add3A_178 : i32
    %dma_wait3A_180 = arith.constant 0 : i32
    %dma_wait3A_181 = arith.constant 0 : i32
    %dma_wait3A_182 = arith.constant 0 : i32
    %dma_wait3A_183 = tpu.memref_slice %arg6[%dma_wait3A_180, %dma_wait3A_181, %dma_wait3A_182] : memref<4x26x64xf32, #tpu.memory_space<vmem>> -> memref<1x26x64xf32, #tpu.memory_space<vmem>>
    %dma_wait3A_184 = tpu.memref_squeeze %dma_wait3A_183 : memref<1x26x64xf32, #tpu.memory_space<vmem>> -> memref<26x64xf32, #tpu.memory_space<vmem>>
    %dma_wait3A_185 = arith.constant 0 : i32
    %dma_wait3A_186 = arith.constant 0 : i32
    %dma_wait3A_187 = tpu.memref_slice %arg4[%add3A_179, %dma_wait3A_185, %dma_wait3A_186] : memref<4096x26x64xf32, #tpu.memory_space<hbm>> -> memref<1x26x64xf32, #tpu.memory_space<hbm>>
    %dma_wait3A_188 = tpu.memref_squeeze %dma_wait3A_187 : memref<1x26x64xf32, #tpu.memory_space<hbm>> -> memref<26x64xf32, #tpu.memory_space<hbm>>
    %dma_wait3A_189 = arith.constant 0 : i32
    %dma_wait3A_190 = arith.constant 0 : i32
    %dma_wait3A_191 = tpu.memref_slice %arg4[%add3A_179, %dma_wait3A_189, %dma_wait3A_190] : memref<4096x26x64xf32, #tpu.memory_space<hbm>> -> memref<1x26x64xf32, #tpu.memory_space<hbm>>
    %dma_wait3A_192 = tpu.memref_squeeze %dma_wait3A_191 : memref<1x26x64xf32, #tpu.memory_space<hbm>> -> memref<26x64xf32, #tpu.memory_space<hbm>>
    %dma_wait3A_193 = arith.constant 0 : i32
    %dma_wait3A_194 = arith.constant 0 : i32
    %dma_wait3A_195 = tpu.memref_slice %arg6[%dma_wait3A_180, %dma_wait3A_193, %dma_wait3A_194] : memref<4x26x64xf32, #tpu.memory_space<vmem>> -> memref<1x26x64xf32, #tpu.memory_space<vmem>>
    %dma_wait3A_196 = tpu.memref_squeeze %dma_wait3A_195 : memref<1x26x64xf32, #tpu.memory_space<vmem>> -> memref<26x64xf32, #tpu.memory_space<vmem>>
    tpu.wait_dma2 semaphore(%arg11 : memref<!tpu.dma_semaphore, #tpu.memory_space<semaphore_mem>>) src(%dma_wait3A_196 : memref<26x64xf32, #tpu.memory_space<vmem>>) dst(%dma_wait3A_192 : memref<26x64xf32, #tpu.memory_space<hbm>>)
    %add3A_197 = arith.constant 125 : i32
    %add3A_198 = arith.addi %mul3A_2, %add3A_197 : i32
    %dma_wait3A_199 = arith.constant 1 : i32
    %dma_wait3A_200 = arith.constant 0 : i32
    %dma_wait3A_201 = arith.constant 0 : i32
    %dma_wait3A_202 = tpu.memref_slice %arg6[%dma_wait3A_199, %dma_wait3A_200, %dma_wait3A_201] : memref<4x26x64xf32, #tpu.memory_space<vmem>> -> memref<1x26x64xf32, #tpu.memory_space<vmem>>
    %dma_wait3A_203 = tpu.memref_squeeze %dma_wait3A_202 : memref<1x26x64xf32, #tpu.memory_space<vmem>> -> memref<26x64xf32, #tpu.memory_space<vmem>>
    %dma_wait3A_204 = arith.constant 0 : i32
    %dma_wait3A_205 = arith.constant 0 : i32
    %dma_wait3A_206 = tpu.memref_slice %arg4[%add3A_198, %dma_wait3A_204, %dma_wait3A_205] : memref<4096x26x64xf32, #tpu.memory_space<hbm>> -> memref<1x26x64xf32, #tpu.memory_space<hbm>>
    %dma_wait3A_207 = tpu.memref_squeeze %dma_wait3A_206 : memref<1x26x64xf32, #tpu.memory_space<hbm>> -> memref<26x64xf32, #tpu.memory_space<hbm>>
    %dma_wait3A_208 = arith.constant 0 : i32
    %dma_wait3A_209 = arith.constant 0 : i32
    %dma_wait3A_210 = tpu.memref_slice %arg4[%add3A_198, %dma_wait3A_208, %dma_wait3A_209] : memref<4096x26x64xf32, #tpu.memory_space<hbm>> -> memref<1x26x64xf32, #tpu.memory_space<hbm>>
    %dma_wait3A_211 = tpu.memref_squeeze %dma_wait3A_210 : memref<1x26x64xf32, #tpu.memory_space<hbm>> -> memref<26x64xf32, #tpu.memory_space<hbm>>
    %dma_wait3A_212 = arith.constant 0 : i32
    %dma_wait3A_213 = arith.constant 0 : i32
    %dma_wait3A_214 = tpu.memref_slice %arg6[%dma_wait3A_199, %dma_wait3A_212, %dma_wait3A_213] : memref<4x26x64xf32, #tpu.memory_space<vmem>> -> memref<1x26x64xf32, #tpu.memory_space<vmem>>
    %dma_wait3A_215 = tpu.memref_squeeze %dma_wait3A_214 : memref<1x26x64xf32, #tpu.memory_space<vmem>> -> memref<26x64xf32, #tpu.memory_space<vmem>>
    tpu.wait_dma2 semaphore(%arg12 : memref<!tpu.dma_semaphore, #tpu.memory_space<semaphore_mem>>) src(%dma_wait3A_215 : memref<26x64xf32, #tpu.memory_space<vmem>>) dst(%dma_wait3A_211 : memref<26x64xf32, #tpu.memory_space<hbm>>)
    %add3A_216 = arith.constant 126 : i32
    %add3A_217 = arith.addi %mul3A_2, %add3A_216 : i32
    %dma_wait3A_218 = arith.constant 2 : i32
    %dma_wait3A_219 = arith.constant 0 : i32
    %dma_wait3A_220 = arith.constant 0 : i32
    %dma_wait3A_221 = tpu.memref_slice %arg6[%dma_wait3A_218, %dma_wait3A_219, %dma_wait3A_220] : memref<4x26x64xf32, #tpu.memory_space<vmem>> -> memref<1x26x64xf32, #tpu.memory_space<vmem>>
    %dma_wait3A_222 = tpu.memref_squeeze %dma_wait3A_221 : memref<1x26x64xf32, #tpu.memory_space<vmem>> -> memref<26x64xf32, #tpu.memory_space<vmem>>
    %dma_wait3A_223 = arith.constant 0 : i32
    %dma_wait3A_224 = arith.constant 0 : i32
    %dma_wait3A_225 = tpu.memref_slice %arg4[%add3A_217, %dma_wait3A_223, %dma_wait3A_224] : memref<4096x26x64xf32, #tpu.memory_space<hbm>> -> memref<1x26x64xf32, #tpu.memory_space<hbm>>
    %dma_wait3A_226 = tpu.memref_squeeze %dma_wait3A_225 : memref<1x26x64xf32, #tpu.memory_space<hbm>> -> memref<26x64xf32, #tpu.memory_space<hbm>>
    %dma_wait3A_227 = arith.constant 0 : i32
    %dma_wait3A_228 = arith.constant 0 : i32
    %dma_wait3A_229 = tpu.memref_slice %arg4[%add3A_217, %dma_wait3A_227, %dma_wait3A_228] : memref<4096x26x64xf32, #tpu.memory_space<hbm>> -> memref<1x26x64xf32, #tpu.memory_space<hbm>>
    %dma_wait3A_230 = tpu.memref_squeeze %dma_wait3A_229 : memref<1x26x64xf32, #tpu.memory_space<hbm>> -> memref<26x64xf32, #tpu.memory_space<hbm>>
    %dma_wait3A_231 = arith.constant 0 : i32
    %dma_wait3A_232 = arith.constant 0 : i32
    %dma_wait3A_233 = tpu.memref_slice %arg6[%dma_wait3A_218, %dma_wait3A_231, %dma_wait3A_232] : memref<4x26x64xf32, #tpu.memory_space<vmem>> -> memref<1x26x64xf32, #tpu.memory_space<vmem>>
    %dma_wait3A_234 = tpu.memref_squeeze %dma_wait3A_233 : memref<1x26x64xf32, #tpu.memory_space<vmem>> -> memref<26x64xf32, #tpu.memory_space<vmem>>
    tpu.wait_dma2 semaphore(%arg13 : memref<!tpu.dma_semaphore, #tpu.memory_space<semaphore_mem>>) src(%dma_wait3A_234 : memref<26x64xf32, #tpu.memory_space<vmem>>) dst(%dma_wait3A_230 : memref<26x64xf32, #tpu.memory_space<hbm>>)
    %add3A_235 = arith.constant 127 : i32
    %add3A_236 = arith.addi %mul3A_2, %add3A_235 : i32
    %dma_wait3A_237 = arith.constant 3 : i32
    %dma_wait3A_238 = arith.constant 0 : i32
    %dma_wait3A_239 = arith.constant 0 : i32
    %dma_wait3A_240 = tpu.memref_slice %arg6[%dma_wait3A_237, %dma_wait3A_238, %dma_wait3A_239] : memref<4x26x64xf32, #tpu.memory_space<vmem>> -> memref<1x26x64xf32, #tpu.memory_space<vmem>>
    %dma_wait3A_241 = tpu.memref_squeeze %dma_wait3A_240 : memref<1x26x64xf32, #tpu.memory_space<vmem>> -> memref<26x64xf32, #tpu.memory_space<vmem>>
    %dma_wait3A_242 = arith.constant 0 : i32
    %dma_wait3A_243 = arith.constant 0 : i32
    %dma_wait3A_244 = tpu.memref_slice %arg4[%add3A_236, %dma_wait3A_242, %dma_wait3A_243] : memref<4096x26x64xf32, #tpu.memory_space<hbm>> -> memref<1x26x64xf32, #tpu.memory_space<hbm>>
    %dma_wait3A_245 = tpu.memref_squeeze %dma_wait3A_244 : memref<1x26x64xf32, #tpu.memory_space<hbm>> -> memref<26x64xf32, #tpu.memory_space<hbm>>
    %dma_wait3A_246 = arith.constant 0 : i32
    %dma_wait3A_247 = arith.constant 0 : i32
    %dma_wait3A_248 = tpu.memref_slice %arg4[%add3A_236, %dma_wait3A_246, %dma_wait3A_247] : memref<4096x26x64xf32, #tpu.memory_space<hbm>> -> memref<1x26x64xf32, #tpu.memory_space<hbm>>
    %dma_wait3A_249 = tpu.memref_squeeze %dma_wait3A_248 : memref<1x26x64xf32, #tpu.memory_space<hbm>> -> memref<26x64xf32, #tpu.memory_space<hbm>>
    %dma_wait3A_250 = arith.constant 0 : i32
    %dma_wait3A_251 = arith.constant 0 : i32
    %dma_wait3A_252 = tpu.memref_slice %arg6[%dma_wait3A_237, %dma_wait3A_250, %dma_wait3A_251] : memref<4x26x64xf32, #tpu.memory_space<vmem>> -> memref<1x26x64xf32, #tpu.memory_space<vmem>>
    %dma_wait3A_253 = tpu.memref_squeeze %dma_wait3A_252 : memref<1x26x64xf32, #tpu.memory_space<vmem>> -> memref<26x64xf32, #tpu.memory_space<vmem>>
    tpu.wait_dma2 semaphore(%arg14 : memref<!tpu.dma_semaphore, #tpu.memory_space<semaphore_mem>>) src(%dma_wait3A_253 : memref<26x64xf32, #tpu.memory_space<vmem>>) dst(%dma_wait3A_249 : memref<26x64xf32, #tpu.memory_space<hbm>>)
    return
  }
}

</mosaic_0001>

<sc_bundles>
// kernel: _gather.3.cloned.1.call-start
scs
__scs_entry_jumppad:
0x0: {  	(pc) =	sbr.rel $0x88, $3  }
0x1: {  	(tag) =	ssettag $0x0;
	lr =	simm.s32 $0x1  }
0x2: {  	[smem:$0x3F9F] =	sst lr;
	_ =	strace $0xD0000000  }
0x3: {  	_ = 	snop  }
0x4: {  	_ = 	snop  }
0x5: {  	_ = 	snop  }
0x6: {  	_ = 	snop  }
0x7: {  	_ = 	snop  }
__scs_overlays_trampoline_lowered:
0x8: {  	[smem:$0x3FAE] =	sst s0  }
0x9: {  	[smem:$0x3FAF] =	sst s1  }
0xa: {  	[smem:$0x3FB0] =	sst s2  }
0xb: {  	[smem:$0x3FB1] =	sst s3  }
0xc: {  	[smem:$0x3FB2] =	sst s4  }
0xd: {  	[smem:$0x3FB3] =	sst s5  }
0xe: {  	[smem:$0x3FB4] =	sst s6  }
0xf: {  	[smem:$0x3FB5] =	sst s7  }
0x10: {  	[smem:$0x3FB6] =	sst s8  }
0x11: {  	[smem:$0x3FB7] =	sst s9;
	s0 =	simm.s32 @!p0 $0x0  }
0x12: {  	s1 =	sld [smem:$0x3F9D];
	s0 =	simm.s32 @p0 $0x1  }
0x13: {  	[smem:$0x3FB8] =	sst s0;
	s0 =	simm.s32 @!p1 $0x0  }
0x14: {  	s2 =	sld [smem:$0x3F9C];
	s0 =	simm.s32 @p1 $0x1  }
0x15: {  	[smem:$0x3FB9] =	sst s0;
	s0 =	simm.s32 @!p2 $0x0  }
0x16: {  	s3 =	sld [smem:$0x3FDB];
	s0 =	simm.s32 @p2 $0x1  }
0x17: {  	s4 =	simm.s32 $0x1BF5;
	[smem:$0x3FBB] =	sst s0  }
0x18: {  	s0 =	sld [smem:$0x3F9E];
	_ =	swait.ge [sflag:s4], $0x0  }
0x19: {  	s7 =	sld [smem:$0x3F9F]  }
0x1a: {  	s8 =	sadd.s32 $0xFFFFE003, lr  }
0x1b: {  	s9 =	sadd.s32 $0xFFFFFEF7, lr;
	s5 =	simm.s32 $0xFFFFFFFF;
	p2 =	slt.u32 s8, $0xFFFFF086  }
0x1c: {  	p1 =	slt.u32 s9, $0xF7A;
	s5 =	simm.s32 @!p2 $0x0  }
0x1d: {  	s5 =	simm.s32 @p1 $0x1;
	p0 =	seq.s32 s7, s2  }
0x1e: {  	s7 =	smul.u32 @!p0 $0xF7A, s2;
	p2 =	seq.s32 @!p0 s5, $0x0  }
0x1f: {  	s9 =	smul.u32 $0xF7A, s1;
	s8 =	simm.s32 @!p0 $0x1BF5;
	p2 =	por !p2, p0  }
0x20: {  	[sflag:s8] =	ssyncset.s32 @!p0 $0xFFFFF086;
	s6 =	sadd.s32 @!p0 s3, s7;
	s7 =	simm.s32 @!p0 $0x108  }
0x21: {  	s3 =	sadd.s32 s3, s9;
	s6 =	sadd.s32 @!p0 $0x88, s6;
	s7 =	simm.s32 @p2 $0x1082  }
0x22: {  	[simem:s7], [sflag:s8] =	dma.local @!p0 [hbm:s6], $0xF7A  }
0x23: {  	s9 =	sor.u32 $0xD0000000, s2;
	s6 =	simm.s32 $0x108;
	_ =	swait.ge @!p0 [sflag:s8], $0x0  }
0x24: {  	s3 =	sadd.s32 $0x88, s3;
	s6 =	simm.s32 @!p1 $0x1082;
	[sflag:s4] =	ssyncset.s32 $0xFFFFF086  }
0x25: {  	[simem:s6], [sflag:s4] =	dma.local [hbm:s3], $0xF7A  }
0x26: {  	[smem:$0x3F9F] =	sst s1;
	(tag) =	ssettag s2;
	_ =	strace s9  }
0x27: {  	s1 =	sld [smem:$0x3FAF]  }
0x28: {  	s2 =	sld [smem:$0x3FB0]  }
0x29: {  	s4 =	sld [smem:$0x3FB2]  }
0x2a: {  	p0 =	seq.s32 s5, $0x0;
	s5 =	sld [smem:$0x3FB3]  }
0x2b: {  	s6 =	sld [smem:$0x3FB4]  }
0x2c: {  	s7 =	sld [smem:$0x3FB5]  }
0x2d: {  	s3 =	simm.s32 $0x108;
	s8 =	sld [smem:$0x3FB6]  }
0x2e: {  	s3 =	simm.s32 @!p0 $0x1082;
	s9 =	sld [smem:$0x3FB7]  }
0x2f: {  	lr =	sadd.s32 s0, s3;
	s0 =	sld [smem:$0x3FAE]  }
0x30: {  	s3 =	sld [smem:$0x3FB1]  }
0x31: {  	[smem:$0x3FBA] =	sst s10  }
0x32: {  	s10 =	sld [smem:$0x3FB8];
	_ =	sdelay $0x3  }
0x33: {  	p0 =	seq.s32 s10, $0x1;
	s10 =	sld [smem:$0x3FBA];
	_ =	sdelay $0x3  }
0x34: {  	[smem:$0x3FBA] =	sst s10  }
0x35: {  	s10 =	sld [smem:$0x3FB9];
	_ =	sdelay $0x3  }
0x36: {  	p1 =	seq.s32 s10, $0x1;
	s10 =	sld [smem:$0x3FBA];
	_ =	sdelay $0x3  }
0x37: {  	[smem:$0x3FBA] =	sst s10  }
0x38: {  	s10 =	sld [smem:$0x3FBB]  }
0x39: {  	_ = 	snop;
	(pc) =	sbr.ind lr, $3  }
0x3a: {  	_ = 	snop  }
0x3b: {  	_ = 	snop  }
0x3c: {  	p2 =	seq.s32 s10, $0x1;
	s10 =	sld [smem:$0x3FBA]  }
0x3d: {  	_ =	shalt  }
0x3e: {  	_ =	shalt  }
0x3f: {  	_ =	shalt  }
0x40: {  	_ =	shalt  }
0x41: {  	_ =	shalt  }
0x42: {  	_ =	shalt  }
0x43: {  	_ =	shalt  }
0x44: {  	_ =	shalt  }
0x45: {  	_ =	shalt  }
0x46: {  	_ =	shalt  }
0x47: {  	_ =	shalt  }
0x48: {  	_ =	shalt  }
0x49: {  	_ =	shalt  }
0x4a: {  	_ =	shalt  }
0x4b: {  	_ =	shalt  }
0x4c: {  	_ =	shalt  }
0x4d: {  	_ =	shalt  }
0x4e: {  	_ =	shalt  }
0x4f: {  	_ =	shalt  }
0x50: {  	_ =	shalt  }
0x51: {  	_ =	shalt  }
0x52: {  	_ =	shalt  }
0x53: {  	_ =	shalt  }
0x54: {  	_ =	shalt  }
0x55: {  	_ =	shalt  }
0x56: {  	_ =	shalt  }
0x57: {  	_ =	shalt  }
0x58: {  	_ =	shalt  }
0x59: {  	_ =	shalt  }
0x5a: {  	_ =	shalt  }
0x5b: {  	_ =	shalt  }
0x5c: {  	_ =	shalt  }
0x5d: {  	_ =	shalt  }
0x5e: {  	_ =	shalt  }
0x5f: {  	_ =	shalt  }
0x60: {  	_ =	shalt  }
0x61: {  	_ =	shalt  }
0x62: {  	_ =	shalt  }
0x63: {  	_ =	shalt  }
0x64: {  	_ =	shalt  }
0x65: {  	_ =	shalt  }
0x66: {  	_ =	shalt  }
0x67: {  	_ =	shalt  }
0x68: {  	_ =	shalt  }
0x69: {  	_ =	shalt  }
0x6a: {  	_ =	shalt  }
0x6b: {  	_ =	shalt  }
0x6c: {  	_ =	shalt  }
0x6d: {  	_ =	shalt  }
0x6e: {  	_ =	shalt  }
0x6f: {  	_ =	shalt  }
0x70: {  	_ =	shalt  }
0x71: {  	_ =	shalt  }
0x72: {  	_ =	shalt  }
0x73: {  	_ =	shalt  }
0x74: {  	_ =	shalt  }
0x75: {  	_ =	shalt  }
0x76: {  	_ =	shalt  }
0x77: {  	_ =	shalt  }
0x78: {  	_ =	shalt  }
0x79: {  	_ =	shalt  }
0x7a: {  	_ =	shalt  }
0x7b: {  	_ =	shalt  }
0x7c: {  	_ =	shalt  }
0x7d: {  	_ =	shalt  }
0x7e: {  	_ =	shalt  }
0x7f: {  	_ =	shalt  }
0x80: {  	_ =	shalt  }
0x81: {  	_ =	shalt  }
0x82: {  	_ =	shalt  }
0x83: {  	_ =	shalt  }
0x84: {  	_ =	shalt  }
0x85: {  	_ =	shalt  }
0x86: {  	_ =	shalt  }
0x87: {  	_ =	shalt  }
.Lfunc_end0:
.L_simem_size_0:
called_computation_lowered:
.L_overlay_start_0:
0x88: {  	s2 =	sld [smem:$0x3FD9]  }
0x89: {  	s3 =	sld [smem:$0x3FFE];
	_ =	sdelay $0x1  }
0x8a: {  	s1 =	srdreg.scid  }
0x8b: {  	s0 =	sand.u32 $0x1, s1  }
0x8c: {  	s17 =	sshll.u32 s0, $0xA;
	s2 =	sadd.s32 s3, s2  }
0x8d: {  	s2 =	sadd.s32 s2, s17  }
0x8e: {  	[smem:$0x3FC6] =	sst s2  }
0x8f: {  	_ = 	snop  }
0x90: {  	s2 =	sld [smem:$0x3FD0];
	(tm) =	ssettm $0x1  }
0x91: {  	s18 =	sld [smem:$0x3FFB];
	_ =	sdelay $0x3  }
0x92: {  	_ =	strace s18  }
0x93: {  	s3 =	sld [smem:$0x3FFC];
	_ =	sdelay $0x3  }
0x94: {  	_ =	strace s3  }
0x95: {  	s3 =	sld [smem:$0x3FFD];
	_ =	sdelay $0x3  }
0x96: {  	_ =	strace s3  }
0x97: {  	_ =	strace $0x8FFFFFFF  }
0x98: {  	s19 =	sld [smem:$0x3FDB];
	_ =	sdelay $0x1  }
0x99: {  	s4 =	simm.s32 $_scs_section_size  }
0x9a: {  	s5 =	simm.s32 $_size__tile_overlayer_lowered;
	s6 =	simm.s32 $_tile_overlayer_lowered  }
0x9b: {  	s22 =	simm.s32 $0x1BFF;
	s21 =	sshll.u32 s6, $0x1;
	s3 =	sadd.s32 s4, s19  }
0x9c: {  	s7 =	simm.s32 $0x0;
	s20 =	sshll.u32 s5, $0x1;
	s5 =	sadd.s32 s21, s3  }
0x9d: {  	[timem:s7], [sflag:s22] =	dma.local [hbm:s5], s20  }
0x9e: {  	_ =	swait.ge [sflag:s22], s20  }
0x9f: {  	s4 =	ssub.s32 $0x0, s20;
	[sflag:s22] =	ssyncset.done $0x0  }
0xa0: {  	[sflag:s22] =	ssyncadd.s32 s4;
	_ =	sdelay $0x1  }
0xa1: {  	s23 =	simm.s32 $0x1B8B  }
0xa2: {  	_ =	swait.ge [sflag:s23], $0x1  }
0xa3: {  	[sflag:s23] =	ssyncset.done $0x0  }
0xa4: {  	s25 =	simm.s32 $0x1B8E;
	s24 =	sld [smem:$0x3FFE];
	[sflag:s23] =	ssyncadd.s32 $0xFFFFFFFF  }
0xa5: {  	s26 =	simm.s32 $execute0_lowered;
	[smem:$0x3FD2] =	sst s25  }
0xa6: {  	s5 =	sshll.u32 s26, $0x1;
	_ =	strace $0x80000046;
	[dreg:$0x1] =	wrdreg $0xFFFFFFFF  }
0xa7: {  	s28 =	simm.s32 $_size_execute0_lowered;
	s3 =	sadd.s32 s3, s5;
	[dreg:$0x0] =	wrdreg $0x0  }
0xa8: {  	s5 =	sshll.u32 s28, $0x1;
	[dreg:$0x2] =	wrdreg s3  }
0xa9: {  	[dreg:$0x3] =	wrdreg s5  }
0xaa: {  	[dreg:$0x4] =	wrdreg $0xC0  }
0xab: {  	_ =	task [dreg:s7], $0x5FFFF  }
0xac: {  	[dreg:$0x1] =	wrdreg $0xFFFFFFFF  }
0xad: {  	[dreg:$0x0] =	wrdreg $0x60  }
0xae: {  	[dreg:$0x2] =	wrdreg s24  }
0xaf: {  	[dreg:$0x3] =	wrdreg s2  }
0xb0: {  	[dreg:$0x4] =	wrdreg $0x9  }
0xb1: {  	_ =	task.clear_ibuf [dreg:s7], $0x5FFFF;
	_ =	strace $0x90000046  }
0xb2: {  	s29 =	simm.s32 $0x9;
	_ =	strace $0x80000048  }
0xb3: {  	_ =	swait.ge [sflag:s29], $0x1  }
0xb4: {  	[sflag:s29] =	ssyncadd.s32 $0xFFFFFFFF  }
0xb5: {  	_ =	strace $0x90000048  }
0xb6: {  	_ =	sfence  }
0xb7: {  	s30 =	sld [smem:$0x0];
	_ =	sdelay $0x2  }
0xb8: {  	s31 =	sshll.u32 s1, $0xD;
	s1 =	sshrl.u32 s1, $0x2  }
0xb9: {  	s3 =	sand.u32 $0x4000, s31;
	s1 =	sadd.s32 s1, s30  }
0xba: {  	s0 =	sor.u32 s3, s0;
	s1 =	sshll.u32 s1, $0x11  }
0xbb: {  	s0 =	sor.u32 s1, s0  }
0xbc: {  	s0 =	sadd.s32 $0x8F2B, s0  }
0xbd: {  	[sflag:s0] =	ssyncadd.remote.s32 $0x1  }
0xbe: {  	_ =	sfence.sel $0xFFFF  }
0xbf: {  	[dreg:$0x0] =	wrdreg $0xFFFFFFFF;
	(pc) =	sbr.abs _section_cstart, $3  }
0xc0: {  	[dreg:$0x1] =	wrdreg $0xFFFFFFFF  }
0xc1: {  	_ =	task.clear_ibuf [dreg:s7], $0x2FFFF;
	_ =	strace $0x9FFFFFFF  }
0xc2: {  	(tm) =	ssettm $0x7FFFFFFF  }
0xc3: {  	_ =	shalt  }
tec
execute0_lowered:
.L_overlay_start_1:
0x0: {  	(tag) =	ssettag $0x1  }
0x1: {  	s0 =	rddreg [dreg:$0x0]  }
0x2: {  	s1 =	rddreg [dreg:$0x1]  }
0x3: {  	s2 =	srdreg.scid;
	s9 =	stileid.u32  }
0x4: {  	s14 =	simm.s32 $0x1000;
	s16 =	simm.s32 $0x1680;
	s18 =	simm.s32 $0x1D00  }
0x5: {  	s19 =	simm.s32 $0x60;
	s20 =	simm.s32 $0x2380;
	s21 =	simm.s32 $0x1  }
0x6: {  	s22 =	simm.s32 $0x2;
	s23 =	simm.s32 $0x3;
	s24 =	simm.s32 $0x4  }
0x7: {  	s28 =	simm.s32 $0x7;
	s29 =	simm.s32 $0x8;
	s30 =	simm.s32 $0x0  }
0x8: {  	s7 =	sand.u32 $0x1, s2;
	s2 =	simm.s32 $0x0;
	s8 =	smul.u32 $0xD000, s9  }
0x9: {  	s3 =	sshll.u32 s9, $0x8;
	s9 =	smul.u32 $0x68000, s9;
	s4 =	sshll.u32 s7, $0x7  }
0xa: {  	[smem:$0x7FF] =	sst s2;
	s5 =	ssub.s32 $0x2, s7;
	s11 =	smul.u32 $0x34000, s7  }
0xb: {  	s12 =	smul.u32 $0x6800, s7;
	s3 =	sor.u32 s4, s3;
	_ =	strace $0x80000047  }
0xc: {  	s25 =	sshrl.u32 s5, $0x1;
	s13 =	sadd.s32 s8, s1;
	s4 =	sshll.u32 s3, $0x2  }
0xd: {  	s6 =	smul.u32 $0x680, s3;
	s3 =	sadd.s32 $0x1E84E00, s0;
	s9 =	sadd.s32 s11, s9  }
0xe: {  	s31 =	sadd.s32 s12, s13;
	s12 =	simm.s32 $0x9;
	s13 =	simm.s32 $0x1A  }
0xf: {  	s4 =	sadd.s32 s4, s0;
	s0 =	ssub.s32 s5, s25;
	s11 =	sshrl.u32 s9, $0x3  }
0x10: {  	s25 =	simm.s32 $0x5;
	s26 =	sshrl.u32 s6, $0x3;
	s4 =	sadd.s32 $0x600, s4  }
0x11: {  	s9 =	smax.u32 s0, $0x1;
	s11 =	sadd.s32 s11, s1;
	s10 =	sadd.s32 s1, s26  }
0x12: {  	s26 =	simm.s32 $0x6;
	s5 =	sadd.s32 $0x64C0, s10;
	s6 =	sadd.s32 $0x6590, s10  }
0x13: {  	s7 =	sadd.s32 $0x6660, s10;
	s8 =	sadd.s32 $0x6730, s10;
	s10 =	sadd.s32 $0x270, s31  }
.LBB2_1:
0x14: {  	[tilespmem:s2], [sflag:$0x9] =	stream.linear.gather [hbm4b:s4+s2], $0x1000, $0x38;
	[tilespmem:$0x2A00] =	vst v63  }
0x15: {  	_ =	swait.ge [sflag:s12], $0x1000  }
0x16: {  	[sflag:s12] =	ssyncset.done $0x0  }
0x17: {  	[sflag:s12] =	ssyncadd.s32 $0xFFFFF000  }
0x18: {  	[tilespmem:s14], [sflag:$0x1] =	stream.indirect.gather [hbm4b:s3+s13], $0x40, s2, s13, $0xb8;
	[tilespmem:$0x2A00] =	vst v63  }
0x19: {  	s0 =	simm.s32 $0x20  }
0x1a: {  	[tilespmem:s16], [sflag:$0x2] =	stream.indirect.gather [hbm4b:s3+s13], $0x40, s0, s13, $0xb8;
	[tilespmem:$0x2A00] =	vst v63  }
0x1b: {  	s1 =	simm.s32 $0x40  }
0x1c: {  	[tilespmem:s18], [sflag:$0x3] =	stream.indirect.gather [hbm4b:s3+s13], $0x40, s1, s13, $0xb8;
	[tilespmem:$0x2A00] =	vst v63  }
0x1d: {  	_ = 	snop  }
0x1e: {  	[tilespmem:s20], [sflag:$0x4] =	stream.indirect.gather [hbm4b:s3+s13], $0x40, s19, s13, $0xb8;
	[tilespmem:$0x2A00] =	vst v63  }
0x1f: {  	_ =	swait.ge [sflag:s21], $0x680  }
0x20: {  	[sflag:s21] =	ssyncset.done $0x0  }
0x21: {  	[sflag:s21] =	ssyncadd.s32 $0xFFFFF980  }
0x22: {  	[hbm4b:s11+s2] =	stream.linear.scatter [tilespmem:s14], [sflag:$0x5], $0x680, $0x38;
	[tilespmem:$0x2A00] =	vst v63  }
0x23: {  	_ =	swait.ge [sflag:s22], $0x680  }
0x24: {  	[sflag:s22] =	ssyncset.done $0x0  }
0x25: {  	s15 =	sadd.s32 $0xFFFFFE60, s10;
	[sflag:s22] =	ssyncadd.s32 $0xFFFFF980  }
0x26: {  	[hbm4b:s15+s2] =	stream.linear.scatter [tilespmem:s16], [sflag:$0x6], $0x680, $0x38;
	[tilespmem:$0x2A00] =	vst v63  }
0x27: {  	_ =	swait.ge [sflag:s23], $0x680  }
0x28: {  	[sflag:s23] =	ssyncset.done $0x0  }
0x29: {  	s17 =	sadd.s32 $0xFFFFFF30, s10;
	[sflag:s23] =	ssyncadd.s32 $0xFFFFF980  }
0x2a: {  	[hbm4b:s17+s2] =	stream.linear.scatter [tilespmem:s18], [sflag:$0x7], $0x680, $0x38;
	[tilespmem:$0x2A00] =	vst v63  }
0x2b: {  	_ =	swait.ge [sflag:s24], $0x680  }
0x2c: {  	[sflag:s24] =	ssyncset.done $0x0  }
0x2d: {  	[sflag:s24] =	ssyncadd.s32 $0xFFFFF980  }
0x2e: {  	[hbm4b:s10+s2] =	stream.linear.scatter [tilespmem:s20], [sflag:$0x8], $0x680, $0x38;
	[tilespmem:$0x2A00] =	vst v63  }
0x2f: {  	_ =	swait.ge [sflag:s25], $0x680  }
0x30: {  	[sflag:s25] =	ssyncset.done $0x0  }
0x31: {  	s1 =	simm.s32 $0x80;
	[sflag:s25] =	ssyncadd.s32 $0xFFFFF980  }
0x32: {  	[tilespmem:s14], [sflag:$0x1] =	stream.indirect.gather [hbm4b:s3+s13], $0x40, s1, s13, $0xb8;
	[tilespmem:$0x2A00] =	vst v63  }
0x33: {  	_ =	swait.ge [sflag:s26], $0x680  }
0x34: {  	[sflag:s26] =	ssyncset.done $0x0  }
0x35: {  	s15 =	simm.s32 $0xA0;
	[sflag:s26] =	ssyncadd.s32 $0xFFFFF980  }
0x36: {  	[tilespmem:s16], [sflag:$0x2] =	stream.indirect.gather [hbm4b:s3+s13], $0x40, s15, s13, $0xb8;
	[tilespmem:$0x2A00] =	vst v63  }
0x37: {  	_ =	swait.ge [sflag:s28], $0x680  }
0x38: {  	[sflag:s28] =	ssyncset.done $0x0  }
0x39: {  	s17 =	simm.s32 $0xC0;
	[sflag:s28] =	ssyncadd.s32 $0xFFFFF980  }
0x3a: {  	[tilespmem:s18], [sflag:$0x3] =	stream.indirect.gather [hbm4b:s3+s13], $0x40, s17, s13, $0xb8;
	[tilespmem:$0x2A00] =	vst v63  }
0x3b: {  	_ =	swait.ge [sflag:s29], $0x680  }
0x3c: {  	s31 =	simm.s32 $0x200;
	s0 =	sadd.s32 $0x340, s11;
	[sflag:s29] =	ssyncset.done $0x0  }
0x3d: {  	s1 =	sadd.s32 $0x340, s10;
	s15 =	simm.s32 $0xE0;
	[sflag:s29] =	ssyncadd.s32 $0xFFFFF980  }
.LBB2_2:
0x3e: {  	[tilespmem:s20], [sflag:$0x4] =	stream.indirect.gather [hbm4b:s3+s13], $0x40, s15, s13, $0xb8;
	[tilespmem:$0x2A00] =	vst v63  }
0x3f: {  	s15 =	smov.u32 s31  }
0x40: {  	p0 =	sne.s32 s31, $0x3C00;
	s31 =	sadd.s32 $0x200, s31;
	_ =	swait.ge [sflag:s21], $0x680  }
0x41: {  	[sflag:s21] =	ssyncset.done $0x0  }
0x42: {  	[sflag:s21] =	ssyncadd.s32 $0xFFFFF980  }
0x43: {  	[hbm4b:s0+s2] =	stream.linear.scatter [tilespmem:s14], [sflag:$0x5], $0x680, $0x38;
	[tilespmem:$0x2A00] =	vst v63  }
0x44: {  	_ =	swait.ge [sflag:s22], $0x680  }
0x45: {  	[sflag:s22] =	ssyncset.done $0x0  }
0x46: {  	s17 =	sadd.s32 $0xFFFFFE60, s1;
	[sflag:s22] =	ssyncadd.s32 $0xFFFFF980  }
0x47: {  	[hbm4b:s17+s2] =	stream.linear.scatter [tilespmem:s16], [sflag:$0x6], $0x680, $0x38;
	[tilespmem:$0x2A00] =	vst v63  }
0x48: {  	_ =	swait.ge [sflag:s23], $0x680  }
0x49: {  	[sflag:s23] =	ssyncset.done $0x0  }
0x4a: {  	s17 =	sadd.s32 $0xFFFFFF30, s1;
	[sflag:s23] =	ssyncadd.s32 $0xFFFFF980  }
0x4b: {  	[hbm4b:s17+s2] =	stream.linear.scatter [tilespmem:s18], [sflag:$0x7], $0x680, $0x38;
	[tilespmem:$0x2A00] =	vst v63  }
0x4c: {  	_ =	swait.ge [sflag:s24], $0x680  }
0x4d: {  	[sflag:s24] =	ssyncset.done $0x0  }
0x4e: {  	[sflag:s24] =	ssyncadd.s32 $0xFFFFF980  }
0x4f: {  	[hbm4b:s1+s2] =	stream.linear.scatter [tilespmem:s20], [sflag:$0x8], $0x680, $0x38;
	[tilespmem:$0x2A00] =	vst v63  }
0x50: {  	_ =	swait.ge [sflag:s25], $0x680  }
0x51: {  	s15 =	sshra.s32 s15, $0x2;
	[sflag:s25] =	ssyncset.done $0x0  }
0x52: {  	s17 =	sadd.s32 $0x80, s15;
	[sflag:s25] =	ssyncadd.s32 $0xFFFFF980  }
0x53: {  	[tilespmem:s14], [sflag:$0x1] =	stream.indirect.gather [hbm4b:s3+s13], $0x40, s17, s13, $0xb8;
	[tilespmem:$0x2A00] =	vst v63  }
0x54: {  	_ =	swait.ge [sflag:s26], $0x680  }
0x55: {  	[sflag:s26] =	ssyncset.done $0x0  }
0x56: {  	s17 =	sadd.s32 $0xA0, s15;
	[sflag:s26] =	ssyncadd.s32 $0xFFFFF980  }
0x57: {  	[tilespmem:s16], [sflag:$0x2] =	stream.indirect.gather [hbm4b:s3+s13], $0x40, s17, s13, $0xb8;
	[tilespmem:$0x2A00] =	vst v63  }
0x58: {  	_ =	swait.ge [sflag:s28], $0x680  }
0x59: {  	[sflag:s28] =	ssyncset.done $0x0  }
.Ltmp0:
0x5a: {  	s17 =	sadd.s32 $0xC0, s15;
	[sflag:s28] =	ssyncadd.s32 $0xFFFFF980;
	(pc) =	sbr.rel @p0 .LBB2_2-.Ltmp0, $4  }
0x5b: {  	[tilespmem:s18], [sflag:$0x3] =	stream.indirect.gather [hbm4b:s3+s13], $0x40, s17, s13, $0xb8;
	[tilespmem:$0x2A00] =	vst v63  }
0x5c: {  	_ =	swait.ge [sflag:s29], $0x680  }
0x5d: {  	s0 =	sadd.s32 $0x340, s0;
	[sflag:s29] =	ssyncset.done $0x0  }
0x5e: {  	s1 =	sadd.s32 $0x340, s1;
	s15 =	sadd.s32 $0xE0, s15;
	[sflag:s29] =	ssyncadd.s32 $0xFFFFF980  }
0x5f: {  	[tilespmem:s20], [sflag:$0x4] =	stream.indirect.gather [hbm4b:s3+s13], $0x40, s15, s13, $0xb8;
	[tilespmem:$0x2A00] =	vst v63  }
0x60: {  	_ =	swait.ge [sflag:s21], $0x680  }
0x61: {  	[sflag:s21] =	ssyncset.done $0x0  }
0x62: {  	[sflag:s21] =	ssyncadd.s32 $0xFFFFF980  }
0x63: {  	[hbm4b:s5+s2] =	stream.linear.scatter [tilespmem:s14], [sflag:$0x5], $0x680, $0x38;
	[tilespmem:$0x2A00] =	vst v63  }
0x64: {  	_ =	swait.ge [sflag:s22], $0x680  }
0x65: {  	[sflag:s22] =	ssyncset.done $0x0  }
0x66: {  	[sflag:s22] =	ssyncadd.s32 $0xFFFFF980  }
0x67: {  	[hbm4b:s6+s2] =	stream.linear.scatter [tilespmem:s16], [sflag:$0x6], $0x680, $0x38;
	[tilespmem:$0x2A00] =	vst v63  }
0x68: {  	_ =	swait.ge [sflag:s23], $0x680  }
0x69: {  	[sflag:s23] =	ssyncset.done $0x0  }
0x6a: {  	[sflag:s23] =	ssyncadd.s32 $0xFFFFF980  }
0x6b: {  	[hbm4b:s7+s2] =	stream.linear.scatter [tilespmem:s18], [sflag:$0x7], $0x680, $0x38;
	[tilespmem:$0x2A00] =	vst v63  }
0x6c: {  	_ =	swait.ge [sflag:s24], $0x680  }
0x6d: {  	[sflag:s24] =	ssyncset.done $0x0  }
0x6e: {  	[sflag:s24] =	ssyncadd.s32 $0xFFFFF980  }
0x6f: {  	[hbm4b:s8+s2] =	stream.linear.scatter [tilespmem:s20], [sflag:$0x8], $0x680, $0x38;
	[tilespmem:$0x2A00] =	vst v63  }
0x70: {  	_ =	swait.ge [sflag:s25], $0x680  }
0x71: {  	[sflag:s25] =	ssyncset.done $0x0  }
0x72: {  	[sflag:s25] =	ssyncadd.s32 $0xFFFFF980  }
0x73: {  	_ =	swait.ge [sflag:s26], $0x680  }
0x74: {  	[sflag:s26] =	ssyncset.done $0x0  }
0x75: {  	s30 =	sadd.s32 $0x1, s30;
	[sflag:s26] =	ssyncadd.s32 $0xFFFFF980  }
0x76: {  	p0 =	sne.s32 s30, s9;
	_ =	swait.ge [sflag:s28], $0x680  }
.Ltmp1:
0x77: {  	[sflag:s28] =	ssyncset.done $0x0;
	(pc) =	sbr.rel @p0 .LBB2_1-.Ltmp1, $4  }
0x78: {  	[sflag:s28] =	ssyncadd.s32 $0xFFFFF980  }
0x79: {  	_ =	swait.ge [sflag:s29], $0x680  }
0x7a: {  	[sflag:s29] =	ssyncset.done $0x0  }
0x7b: {  	[sflag:s29] =	ssyncadd.s32 $0xFFFFF980  }
0x7c: {  	_ =	sfence.sel $0x180000  }
0x7d: {  	[bflag:$0x0] =	sbarrier.arrive $0xFFFF  }
0x7e: {  	_ =	strace $0x90000047  }
0x7f: {  	s0 =	stileid.u32;
	[bflag:$0x2] =	sbarrier.arrive $0xFFFF  }
0x80: {  	p0 =	sne.s32 s0, $0x0;
	s0 =	rddreg [dreg:$0x2]  }
0x81: {  	s0 =	sadd.s32 @!p0 $0x100000, s0  }
0x82: {  	[sflag:s0] =	ssyncadd.tile.s32 @!p0 $0x1;
	_ =	shalt  }
.Lfunc_end2:
_tile_overlayer_lowered:
.L_overlay_start_2:
0x83: {  	(tag) =	ssettag $0x2  }
0x84: {  	s0 =	rddreg [dreg:$0x0];
	s2 =	stileid.u32  }
0x85: {  	s1 =	rddreg [dreg:$0x1];
	p0 =	sne.s32 s2, $0x0  }
0x86: {  	s3 =	rddreg [dreg:$0x2];
	[bflag:$0x3] =	sbarrier.arrive $0xFFFF;
	s2 =	simm.s32 @!p0 $0x1C09  }
0x87: {  	[timem:s3], [sflag:s2] =	dma.local @!p0 [hbm:s0], s1  }
0x88: {  	s0 =	simm.s32 @!p0 $0x9  }
0x89: {  	_ =	swait.ge @!p0 [sflag:s0], s1  }
0x8a: {  	s1 =	ssub.s32 @!p0 $0x0, s1;
	[sflag:s0] =	ssyncset.done @!p0 $0x0  }
0x8b: {  	[sflag:s0] =	ssyncadd.s32 @!p0 s1  }
0x8c: {  	[bflag:$0x3] =	sbarrier.arrive $0xFFFF  }
0x8d: {  	_ =	shalt  }

</sc_bundles>
